<compile_context>
chip_gen: v7x
topology: tpu7x:2x2x1
jax: 0.10.2.dev20260603
libtpu: 0.0.44.dev20260713+nightly
codegen_flags: <defaults>
</compile_context>

<pallas_src>
import functools

import jax
import jax.numpy as jnp
from jax import lax
from jax.experimental import pallas as pl
from jax.experimental.pallas import tpu as pltpu
from jax.experimental.pallas import tpu_sc as plsc

_N = 10000
_E = 320000
_D = 128
_R = 8

_NC = 2
_NS = 16
_NW = _NC * _NS
_CHUNK = 128
_CPT = 80
_EP = _NW * _CPT * _CHUNK
_SPROWS = 10240
_RPT = _SPROWS // _NS
_TRASH = _N

_BLK = 2000
_NB = _N // _BLK



def _mm_body(x_ref, w_ref, b_ref, t_ref, s_ref):
    xb = x_ref[...].astype(jnp.bfloat16)
    for r in range(_R):
        t_ref[r] = jnp.dot(xb, w_ref[r], preferred_element_type=jnp.float32)
    s_ref[...] = (jnp.dot(xb, w_ref[_R], preferred_element_type=jnp.float32)
                  + b_ref[...])


def _transform(x, w_all, b2d):
    return pl.pallas_call(
        _mm_body,
        grid=(_NB,),
        in_specs=[
            pl.BlockSpec((_BLK, _D), lambda i: (i, 0)),
            pl.BlockSpec((_R + 1, _D, _D), lambda i: (0, 0, 0)),
            pl.BlockSpec((1, _D), lambda i: (0, 0)),
        ],
        out_specs=[
            pl.BlockSpec((_R, _BLK, _D), lambda i: (0, i, 0)),
            pl.BlockSpec((_BLK, _D), lambda i: (i, 0)),
        ],
        out_shape=[
            jax.ShapeDtypeStruct((_R, _N, _D), jnp.float32),
            jax.ShapeDtypeStruct((_N, _D), jnp.float32),
        ],
    )(x, w_all, b2d)


def _mm_combine_body(a_ref, s_ref, w_ref, b_ref, t_ref, s2_ref):
    h = jnp.maximum(a_ref[0] + a_ref[1] + s_ref[...], 0.0)
    hb = h.astype(jnp.bfloat16)
    for r in range(_R):
        t_ref[r] = jnp.dot(hb, w_ref[r], preferred_element_type=jnp.float32)
    s2_ref[...] = (jnp.dot(hb, w_ref[_R], preferred_element_type=jnp.float32)
                   + b_ref[...])


def _combine_transform(agg, selfp, w_all, b2d):
    return pl.pallas_call(
        _mm_combine_body,
        grid=(_NB,),
        in_specs=[
            pl.BlockSpec((_NC, _BLK, _D), lambda i: (0, i, 0)),
            pl.BlockSpec((_BLK, _D), lambda i: (i, 0)),
            pl.BlockSpec((_R + 1, _D, _D), lambda i: (0, 0, 0)),
            pl.BlockSpec((1, _D), lambda i: (0, 0)),
        ],
        out_specs=[
            pl.BlockSpec((_R, _BLK, _D), lambda i: (0, i, 0)),
            pl.BlockSpec((_BLK, _D), lambda i: (i, 0)),
        ],
        out_shape=[
            jax.ShapeDtypeStruct((_R, _N, _D), jnp.float32),
            jax.ShapeDtypeStruct((_N, _D), jnp.float32),
        ],
    )(agg, selfp, w_all, b2d)


def _final_body(a_ref, s_ref, o_ref):
    o_ref[...] = a_ref[0] + a_ref[1] + s_ref[...]


def _final(agg, selfp):
    return pl.pallas_call(
        _final_body,
        grid=(_NB,),
        in_specs=[
            pl.BlockSpec((_NC, _BLK, _D), lambda i: (0, i, 0)),
            pl.BlockSpec((_BLK, _D), lambda i: (i, 0)),
        ],
        out_specs=pl.BlockSpec((_BLK, _D), lambda i: (i, 0)),
        out_shape=jax.ShapeDtypeStruct((_N, _D), jnp.float32),
    )(agg, selfp)


_EROWS = _E // _CHUNK
_PROWS = _EP // _CHUNK


def _prep_body(ei_ref, et_ref, ri_ref, di_ref):
    i = pl.program_id(0)
    grow = i * _CHUNK + lax.broadcasted_iota(jnp.int32, (_CHUNK, _CHUNK), 0)
    col = lax.broadcasted_iota(jnp.int32, (_CHUNK, _CHUNK), 1)
    flat = grow * _CHUNK + col
    p = flat - _E
    real = flat < _E
    ri_ref[...] = jnp.where(real, et_ref[...] * _N + ei_ref[0], p)
    di_ref[...] = jnp.where(
        real, ei_ref[1],
        _TRASH + lax.rem(p, jnp.int32(_SPROWS - _N)))


def _prep(edge_index3d, etypes2d):
    return pl.pallas_call(
        _prep_body,
        grid=(_PROWS // _CHUNK,),
        in_specs=[
            pl.BlockSpec((2, _CHUNK, _CHUNK), lambda i: (0, i, 0)),
            pl.BlockSpec((_CHUNK, _CHUNK), lambda i: (i, 0)),
        ],
        out_specs=[
            pl.BlockSpec((_CHUNK, _CHUNK), lambda i: (i, 0)),
            pl.BlockSpec((_CHUNK, _CHUNK), lambda i: (i, 0)),
        ],
        out_shape=[
            jax.ShapeDtypeStruct((_PROWS, _CHUNK), jnp.int32),
            jax.ShapeDtypeStruct((_PROWS, _CHUNK), jnp.int32),
        ],
    )(edge_index3d, etypes2d)



_NBUF = 2
_NPH = 2
_PC = _CPT // _NPH


def _edge_agg(t, rowidx, dstidx):
    mesh = plsc.VectorSubcoreMesh(core_axis_name="c", subcore_axis_name="s")

    @functools.partial(
        pl.kernel,
        mesh=mesh,
        out_type=jax.ShapeDtypeStruct((_NC * _SPROWS, _D), jnp.float32),
        scratch_types=[
            pltpu.VMEM((_PC, _CHUNK), jnp.int32),
            pltpu.VMEM((_PC, _CHUNK), jnp.int32),
            pltpu.VMEM((_CHUNK, _D), jnp.float32),
            pltpu.VMEM((_CHUNK, _D), jnp.float32),
            pltpu.VMEM_SHARED((_SPROWS, _D), jnp.float32),
            pltpu.SemaphoreType.DMA,
            pltpu.SemaphoreType.DMA,
        ],
    )
    def k(t_hbm, ri_hbm, di_hbm, out_hbm, idx_all, dst_all,
          b0, b1, agg_sh, s0, s1):
        bufs = (b0, b1)
        sems = (s0, s1)
        c = lax.axis_index("c")
        s = lax.axis_index("s")
        wid = s * _NC + c

        @pl.loop(0, _CHUNK)
        def _(i):
            @pl.loop(0, _D // 16)
            def _(j):
                b0[i, pl.ds(j * 16, 16)] = jnp.zeros((16,), jnp.float32)

        @pl.loop(0, _RPT // _CHUNK)
        def _(kk):
            pltpu.sync_copy(b0, agg_sh.at[pl.ds(s * _RPT + kk * _CHUNK,
                                                _CHUNK)])

        plsc.subcore_barrier()

        for p in range(_NPH):
            pltpu.sync_copy(ri_hbm.at[pl.ds(wid * _CPT + p * _PC, _PC)],
                            idx_all)
            pltpu.sync_copy(di_hbm.at[pl.ds(wid * _CPT + p * _PC, _PC)],
                            dst_all)
            for b in range(_NBUF):
                pltpu.async_copy(t_hbm.at[idx_all.at[b]], bufs[b], sems[b])

            @pl.loop(0, _PC // _NBUF)
            def _(kk):
                base = kk * _NBUF
                for b in range(_NBUF):
                    pltpu.make_async_copy(t_hbm.at[pl.ds(0, _CHUNK)],
                                          bufs[b], sems[b]).wait()
                    pltpu.sync_copy(bufs[b], agg_sh.at[dst_all.at[base + b]],
                                    add=True)
                    nxt = base + _NBUF + b

                    @pl.when(nxt < _PC)
                    def _():
                        pltpu.async_copy(t_hbm.at[idx_all.at[nxt]],
                                         bufs[b], sems[b])

        plsc.subcore_barrier()

        for kk in range(_RPT // _CHUNK):
            row0 = s * _RPT + kk * _CHUNK
            pltpu.async_copy(agg_sh.at[pl.ds(row0, _CHUNK)],
                             out_hbm.at[pl.ds(c * _SPROWS + row0, _CHUNK)],
                             s0)
        for kk in range(_RPT // _CHUNK):
            pltpu.make_async_copy(agg_sh.at[pl.ds(0, _CHUNK)],
                                  out_hbm.at[pl.ds(0, _CHUNK)], s0).wait()

    return k(t, rowidx, dstidx)



def kernel(feats, edge_index, etypes, W1, loop1, b1, W2, loop2, b2):
    rowidx_p, dst_p = _prep(edge_index.reshape(2, _EROWS, _CHUNK),
                            etypes.reshape(_EROWS, _CHUNK))

    w_all1 = jnp.concatenate([W1, loop1[None]], axis=0).astype(jnp.bfloat16)
    w_all2 = jnp.concatenate([W2, loop2[None]], axis=0).astype(jnp.bfloat16)
    b1_2d = b1.reshape(1, _D)
    b2_2d = b2.reshape(1, _D)

    t1, s1 = _transform(feats, w_all1, b1_2d)
    agg1 = _edge_agg(t1.reshape(_R * _N, _D), rowidx_p, dst_p)
    t2, s2 = _combine_transform(agg1.reshape(_NC, _SPROWS, _D), s1,
                                w_all2, b2_2d)
    agg2 = _edge_agg(t2.reshape(_R * _N, _D), rowidx_p, dst_p)
    return _final(agg2.reshape(_NC, _SPROWS, _D), s2)

# --- scband reference (transcript-rebuilt; emitter-appended) ---
"""Pipeline reference for scband-gnn-9878424780848 (READ-ONLY COPY).

The authoritative reference and input builder live on the scoring server;
editing this copy changes nothing except your own understanding.
"""

import jax, jax.numpy as jnp
import numpy as np

N = 10000
E = 320000
D_IN = 128
D_H = 128
D_OUT = 128
R = 8


def setup_inputs(seed: int = 0) -> dict:
    key = jax.random.key(seed)
    ks = jax.random.split(key, 12)
    feats = jax.random.normal(ks[0], (N, D_IN), dtype=jnp.float32)
    # edge_index: row 0 = src, row 1 = dst (DGL graph edges flattened)
    edge_index = jax.random.randint(ks[1], (2, E), 0, N, dtype=jnp.int32)
    etypes = jax.random.randint(ks[2], (E,), 0, R, dtype=jnp.int32)
    s1 = 1.0 / np.sqrt(D_IN)
    s2 = 1.0 / np.sqrt(D_H)
    # layer1: RelGraphConv(in_dim, h_dim, num_rels), regularizer=None -> full weight per relation
    W1 = jax.random.normal(ks[3], (R, D_IN, D_H), dtype=jnp.float32) * s1
    loop1 = jax.random.normal(ks[4], (D_IN, D_H), dtype=jnp.float32) * s1
    b1 = jnp.zeros((D_H,), dtype=jnp.float32)
    # layer_last: RelGraphConv(h_dim, out_dim, num_rels)
    W2 = jax.random.normal(ks[5], (R, D_H, D_OUT), dtype=jnp.float32) * s2
    loop2 = jax.random.normal(ks[6], (D_H, D_OUT), dtype=jnp.float32) * s2
    b2 = jnp.zeros((D_OUT,), dtype=jnp.float32)
    return {
        "feats": feats,
        "edge_index": edge_index,
        "etypes": etypes,
        "W1": W1, "loop1": loop1, "b1": b1,
        "W2": W2, "loop2": loop2, "b2": b2,
    }


def _rgcn_layer(feats, W, loop_w, b, src, dst, etypes, n_nodes):
    # Per-relation transform of all node features: [R, N, D_out]
    transformed = jnp.einsum('nd,rdo->rno', feats, W)
    # Gather message for each edge by (relation, src) -> [E, D_out]
    msg = transformed[etypes, src]
    # Sum-aggregate messages at destination nodes (SparseCore scatter-add)
    agg = jax.ops.segment_sum(msg, dst, num_segments=n_nodes)
    # Self-loop + bias (DGL RelGraphConv defaults: self_loop=True, bias=True)
    return agg + feats @ loop_w + b


def reference(feats, edge_index, etypes, W1, loop1, b1, W2, loop2, b2):
    src = edge_index[0]
    dst = edge_index[1]
    n_nodes = feats.shape[0]
    # layer1 + ReLU
    h = _rgcn_layer(feats, W1, loop1, b1, src, dst, etypes, n_nodes)
    h = jax.nn.relu(h)
    # num_hidden_layers=1 -> hidden_layers ModuleList is empty
    # layer_last (no activation)
    out = _rgcn_layer(h, W2, loop2, b2, src, dst, etypes, n_nodes)
    return out

if __name__ == "__main__":
    import jax
    _d = setup_inputs()
    print(jax.jit(kernel)(*tuple(_d.values())))

</pallas_src>

<mosaic_0001>
#map = affine_map<(d0, d1) -> (0, 0)>
module attributes {stable_mosaic.version = 14 : i64} {
  func.func @k(%arg0: i32, %arg1: i32, %arg2: memref<80000x128xf32, #tpu.memory_space<hbm>>, %arg3: memref<2560x128xi32, #tpu.memory_space<hbm>>, %arg4: memref<2560x128xi32, #tpu.memory_space<hbm>>, %arg5: memref<20480x128xf32, #tpu.memory_space<hbm>>, %arg6: memref<40x128xi32, #tpu.memory_space<vmem>>, %arg7: memref<40x128xi32, #tpu.memory_space<vmem>>, %arg8: memref<128x128xf32, #tpu.memory_space<vmem>>, %arg9: memref<128x128xf32, #tpu.memory_space<vmem>>, %arg10: memref<10240x128xf32, #tpu.memory_space<vmem_shared>>, %arg11: memref<!tpu.dma_semaphore, #tpu.memory_space<semaphore_mem>>, %arg12: memref<!tpu.dma_semaphore, #tpu.memory_space<semaphore_mem>>) attributes {dimension_semantics = [#tpu.dimension_semantics<core_parallel>, #tpu.dimension_semantics<subcore_parallel>], iteration_bounds = array<i64: 2, 16>, scalar_prefetch = 0 : i64, scratch_operands = 7 : i64, tpu.core_type = #tpu.core_type<sc_vector_subcore>, window_params = [{transform_indices = #map}, {transform_indices = #map}, {transform_indices = #map}, {transform_indices = #map}]} {
    %mul3A = arith.constant 2 : i32
    %mul3A_0 = arith.muli %arg1, %mul3A : i32
    %add3A = arith.addi %mul3A_0, %arg0 : i32
    %scan3A = arith.constant 0 : i32
    %scan3A_1 = arith.constant 128 : i32
    %scan3A_2 = arith.addi %scan3A, %scan3A_1 : i32
    %scan3A_3 = arith.constant 1 : i32
    scf.for %scan3A_148 = %scan3A to %scan3A_2 step %scan3A_3  : i32 {
      %mul3A_149 = arith.constant 1 : i32
      %mul3A_150 = arith.muli %scan3A_148, %mul3A_149 : i32
      %add3A_151 = arith.constant 0 : i32
      %add3A_152 = arith.addi %add3A_151, %mul3A_150 : i32
      %scan3A_153 = arith.constant 0 : i32
      %scan3A_154 = arith.constant 8 : i32
      %scan3A_155 = arith.addi %scan3A_153, %scan3A_154 : i32
      %scan3A_156 = arith.constant 1 : i32
      scf.for %scan3A_158 = %scan3A_153 to %scan3A_155 step %scan3A_156  : i32 {
        %mul3A_159 = arith.constant 1 : i32
        %mul3A_160 = arith.muli %scan3A_158, %mul3A_159 : i32
        %add3A_161 = arith.constant 0 : i32
        %add3A_162 = arith.addi %add3A_161, %mul3A_160 : i32
        %broadcast_in_dim3A = arith.constant 0.000000e+00 : f32
        %broadcast_in_dim3A_163 = vector.broadcast %broadcast_in_dim3A : f32 to vector<16xf32>
        %mul3A_164 = arith.constant 16 : i32
        %mul3A_165 = arith.muli %add3A_162, %mul3A_164 : i32
        %swap3A = arith.index_cast %add3A_152 : i32 to index
        %swap3A_166 = arith.index_cast %mul3A_165 : i32 to index
        %swap3A_167 = tpu.vector_load %arg8[%swap3A, %swap3A_166] {strides = array<i32>} : memref<128x128xf32, #tpu.memory_space<vmem>>, vector<1x16xf32>,
        %swap3A_168 = vector.shape_cast %swap3A_167 : vector<1x16xf32> to vector<16xf32>
        %swap3A_169 = vector.shape_cast %broadcast_in_dim3A_163 : vector<16xf32> to vector<1x16xf32>
        tpu.vector_store %arg8[%swap3A, %swap3A_166], %swap3A_169 {strides = array<i32>} : memref<128x128xf32, #tpu.memory_space<vmem>>, vector<1x16xf32>,
      }
      %scan3A_157 = arith.constant 8 : i32
    }
    %scan3A_4 = arith.constant 128 : i32
    %scan3A_5 = arith.constant 0 : i32
    %scan3A_6 = arith.constant 5 : i32
    %scan3A_7 = arith.addi %scan3A_5, %scan3A_6 : i32
    %scan3A_8 = arith.constant 1 : i32
    scf.for %scan3A_148 = %scan3A_5 to %scan3A_7 step %scan3A_8  : i32 {
      %mul3A_149 = arith.constant 1 : i32
      %mul3A_150 = arith.muli %scan3A_148, %mul3A_149 : i32
      %add3A_151 = arith.constant 0 : i32
      %add3A_152 = arith.addi %add3A_151, %mul3A_150 : i32
      %mul3A_153 = arith.constant 640 : i32
      %mul3A_154 = arith.muli %arg1, %mul3A_153 : i32
      %mul3A_155 = arith.constant 128 : i32
      %mul3A_156 = arith.muli %add3A_152, %mul3A_155 : i32
      %add3A_157 = arith.addi %mul3A_154, %mul3A_156 : i32
      "tpu.region"() ({
        %run_scoped3A = tpu.sem_alloc : memref<!tpu.dma_semaphore, #tpu.memory_space<semaphore_mem>>
        %dma_start3A_158 = arith.constant 0 : i32
        %dma_start3A_159 = tpu.memref_slice %arg10[%add3A_157, %dma_start3A_158] : memref<10240x128xf32, #tpu.memory_space<vmem_shared>> -> memref<128x128xf32, #tpu.memory_space<vmem_shared>>
        %dma_start3A_160 = arith.constant 0 : i32
        %dma_start3A_161 = tpu.memref_slice %arg10[%add3A_157, %dma_start3A_160] : memref<10240x128xf32, #tpu.memory_space<vmem_shared>> -> memref<128x128xf32, #tpu.memory_space<vmem_shared>>
        tpu.enqueue_dma source(%arg8 : memref<128x128xf32, #tpu.memory_space<vmem>>) target(%dma_start3A_161 : memref<128x128xf32, #tpu.memory_space<vmem_shared>>) target_semaphore(%run_scoped3A : memref<!tpu.dma_semaphore, #tpu.memory_space<semaphore_mem>>)
        %dma_wait3A_162 = arith.constant 0 : i32
        %dma_wait3A_163 = tpu.memref_slice %arg10[%add3A_157, %dma_wait3A_162] : memref<10240x128xf32, #tpu.memory_space<vmem_shared>> -> memref<128x128xf32, #tpu.memory_space<vmem_shared>>
        %dma_wait3A_164 = arith.constant 0 : i32
        %dma_wait3A_165 = tpu.memref_slice %arg10[%add3A_157, %dma_wait3A_164] : memref<10240x128xf32, #tpu.memory_space<vmem_shared>> -> memref<128x128xf32, #tpu.memory_space<vmem_shared>>
        tpu.wait_dma2 semaphore(%run_scoped3A : memref<!tpu.dma_semaphore, #tpu.memory_space<semaphore_mem>>) src(%arg8 : memref<128x128xf32, #tpu.memory_space<vmem>>) dst(%dma_wait3A_165 : memref<128x128xf32, #tpu.memory_space<vmem_shared>>)
        tpu.yield
      }) : () -> ()
    }
    %scan3A_9 = arith.constant 5 : i32
    %barrier3A = arith.constant 0 : index
    tpu.barrier barrier_id(%barrier3A)
    %mul3A_10 = arith.constant 80 : i32
    %mul3A_11 = arith.muli %add3A, %mul3A_10 : i32
    %add3A_12 = arith.constant 0 : i32
    %add3A_13 = arith.addi %mul3A_11, %add3A_12 : i32
    "tpu.region"() ({
      %run_scoped3A = tpu.sem_alloc : memref<!tpu.dma_semaphore, #tpu.memory_space<semaphore_mem>>
      %dma_start3A_148 = arith.constant 0 : i32
      %dma_start3A_149 = tpu.memref_slice %arg3[%add3A_13, %dma_start3A_148] : memref<2560x128xi32, #tpu.memory_space<hbm>> -> memref<40x128xi32, #tpu.memory_space<hbm>>
      %dma_start3A_150 = arith.constant 0 : i32
      %dma_start3A_151 = tpu.memref_slice %arg3[%add3A_13, %dma_start3A_150] : memref<2560x128xi32, #tpu.memory_space<hbm>> -> memref<40x128xi32, #tpu.memory_space<hbm>>
      tpu.enqueue_dma source(%dma_start3A_151 : memref<40x128xi32, #tpu.memory_space<hbm>>) target(%arg6 : memref<40x128xi32, #tpu.memory_space<vmem>>) target_semaphore(%run_scoped3A : memref<!tpu.dma_semaphore, #tpu.memory_space<semaphore_mem>>)
      %dma_wait3A_152 = arith.constant 0 : i32
      %dma_wait3A_153 = tpu.memref_slice %arg3[%add3A_13, %dma_wait3A_152] : memref<2560x128xi32, #tpu.memory_space<hbm>> -> memref<40x128xi32, #tpu.memory_space<hbm>>
      %dma_wait3A_154 = arith.constant 0 : i32
      %dma_wait3A_155 = tpu.memref_slice %arg3[%add3A_13, %dma_wait3A_154] : memref<2560x128xi32, #tpu.memory_space<hbm>> -> memref<40x128xi32, #tpu.memory_space<hbm>>
      tpu.wait_dma2 semaphore(%run_scoped3A : memref<!tpu.dma_semaphore, #tpu.memory_space<semaphore_mem>>) src(%dma_wait3A_155 : memref<40x128xi32, #tpu.memory_space<hbm>>) dst(%arg6 : memref<40x128xi32, #tpu.memory_space<vmem>>)
      tpu.yield
    }) : () -> ()
    %mul3A_14 = arith.constant 80 : i32
    %mul3A_15 = arith.muli %add3A, %mul3A_14 : i32
    %add3A_16 = arith.constant 0 : i32
    %add3A_17 = arith.addi %mul3A_15, %add3A_16 : i32
    "tpu.region"() ({
      %run_scoped3A = tpu.sem_alloc : memref<!tpu.dma_semaphore, #tpu.memory_space<semaphore_mem>>
      %dma_start3A_148 = arith.constant 0 : i32
      %dma_start3A_149 = tpu.memref_slice %arg4[%add3A_17, %dma_start3A_148] : memref<2560x128xi32, #tpu.memory_space<hbm>> -> memref<40x128xi32, #tpu.memory_space<hbm>>
      %dma_start3A_150 = arith.constant 0 : i32
      %dma_start3A_151 = tpu.memref_slice %arg4[%add3A_17, %dma_start3A_150] : memref<2560x128xi32, #tpu.memory_space<hbm>> -> memref<40x128xi32, #tpu.memory_space<hbm>>
      tpu.enqueue_dma source(%dma_start3A_151 : memref<40x128xi32, #tpu.memory_space<hbm>>) target(%arg7 : memref<40x128xi32, #tpu.memory_space<vmem>>) target_semaphore(%run_scoped3A : memref<!tpu.dma_semaphore, #tpu.memory_space<semaphore_mem>>)
      %dma_wait3A_152 = arith.constant 0 : i32
      %dma_wait3A_153 = tpu.memref_slice %arg4[%add3A_17, %dma_wait3A_152] : memref<2560x128xi32, #tpu.memory_space<hbm>> -> memref<40x128xi32, #tpu.memory_space<hbm>>
      %dma_wait3A_154 = arith.constant 0 : i32
      %dma_wait3A_155 = tpu.memref_slice %arg4[%add3A_17, %dma_wait3A_154] : memref<2560x128xi32, #tpu.memory_space<hbm>> -> memref<40x128xi32, #tpu.memory_space<hbm>>
      tpu.wait_dma2 semaphore(%run_scoped3A : memref<!tpu.dma_semaphore, #tpu.memory_space<semaphore_mem>>) src(%dma_wait3A_155 : memref<40x128xi32, #tpu.memory_space<hbm>>) dst(%arg7 : memref<40x128xi32, #tpu.memory_space<vmem>>)
      tpu.yield
    }) : () -> ()
    %dma_start3A = arith.constant 0 : i32
    %dma_start3A_18 = arith.constant 0 : i32
    %dma_start3A_19 = tpu.memref_slice %arg6[%dma_start3A, %dma_start3A_18] : memref<40x128xi32, #tpu.memory_space<vmem>> -> memref<1x128xi32, #tpu.memory_space<vmem>>
    %dma_start3A_20 = tpu.memref_squeeze %dma_start3A_19 : memref<1x128xi32, #tpu.memory_space<vmem>> -> memref<128xi32, #tpu.memory_space<vmem>>
    %dma_start3A_21 = arith.constant 0 : i32
    %dma_start3A_22 = arith.constant 0 : i32
    %dma_start3A_23 = tpu.memref_slice %arg2[%dma_start3A_21, %dma_start3A_22] : memref<80000x128xf32, #tpu.memory_space<hbm>> -> memref<80000x128xf32, #tpu.memory_space<hbm>>
    tpu.enqueue_indirect_dma source(%dma_start3A_23 : memref<80000x128xf32, #tpu.memory_space<hbm>>) target(%arg8 : memref<128x128xf32, #tpu.memory_space<vmem>>) offsets(%dma_start3A_20 : memref<128xi32, #tpu.memory_space<vmem>>) semaphore(%arg11 : memref<!tpu.dma_semaphore, #tpu.memory_space<semaphore_mem>>)
    %dma_start3A_24 = arith.constant 1 : i32
    %dma_start3A_25 = arith.constant 0 : i32
    %dma_start3A_26 = tpu.memref_slice %arg6[%dma_start3A_24, %dma_start3A_25] : memref<40x128xi32, #tpu.memory_space<vmem>> -> memref<1x128xi32, #tpu.memory_space<vmem>>
    %dma_start3A_27 = tpu.memref_squeeze %dma_start3A_26 : memref<1x128xi32, #tpu.memory_space<vmem>> -> memref<128xi32, #tpu.memory_space<vmem>>
    %dma_start3A_28 = arith.constant 0 : i32
    %dma_start3A_29 = arith.constant 0 : i32
    %dma_start3A_30 = tpu.memref_slice %arg2[%dma_start3A_28, %dma_start3A_29] : memref<80000x128xf32, #tpu.memory_space<hbm>> -> memref<80000x128xf32, #tpu.memory_space<hbm>>
    tpu.enqueue_indirect_dma source(%dma_start3A_30 : memref<80000x128xf32, #tpu.memory_space<hbm>>) target(%arg9 : memref<128x128xf32, #tpu.memory_space<vmem>>) offsets(%dma_start3A_27 : memref<128xi32, #tpu.memory_space<vmem>>) semaphore(%arg12 : memref<!tpu.dma_semaphore, #tpu.memory_space<semaphore_mem>>)
    %scan3A_31 = arith.constant 0 : i32
    %scan3A_32 = arith.constant 20 : i32
    %scan3A_33 = arith.addi %scan3A_31, %scan3A_32 : i32
    %scan3A_34 = arith.constant 1 : i32
    scf.for %scan3A_148 = %scan3A_31 to %scan3A_33 step %scan3A_34  : i32 {
      %mul3A_149 = arith.constant 1 : i32
      %mul3A_150 = arith.muli %scan3A_148, %mul3A_149 : i32
      %add3A_151 = arith.constant 0 : i32
      %add3A_152 = arith.addi %add3A_151, %mul3A_150 : i32
      %mul3A_153 = arith.constant 2 : i32
      %mul3A_154 = arith.muli %add3A_152, %mul3A_153 : i32
      %dma_wait3A_155 = arith.constant 0 : i32
      %dma_wait3A_156 = arith.constant 0 : i32
      %dma_wait3A_157 = tpu.memref_slice %arg2[%dma_wait3A_155, %dma_wait3A_156] : memref<80000x128xf32, #tpu.memory_space<hbm>> -> memref<128x128xf32, #tpu.memory_space<hbm>>
      %dma_wait3A_158 = arith.constant 0 : i32
      %dma_wait3A_159 = arith.constant 0 : i32
      %dma_wait3A_160 = tpu.memref_slice %arg2[%dma_wait3A_158, %dma_wait3A_159] : memref<80000x128xf32, #tpu.memory_space<hbm>> -> memref<128x128xf32, #tpu.memory_space<hbm>>
      tpu.wait_dma2 semaphore(%arg11 : memref<!tpu.dma_semaphore, #tpu.memory_space<semaphore_mem>>) src(%dma_wait3A_160 : memref<128x128xf32, #tpu.memory_space<hbm>>) dst(%arg8 : memref<128x128xf32, #tpu.memory_space<vmem>>)
      %add3A_161 = arith.constant 0 : i32
      %add3A_162 = arith.addi %mul3A_154, %add3A_161 : i32
      "tpu.region"() ({
        %run_scoped3A = tpu.sem_alloc : memref<!tpu.dma_semaphore, #tpu.memory_space<semaphore_mem>>
        %dma_start3A_186 = arith.constant 0 : i32
        %dma_start3A_187 = tpu.memref_slice %arg7[%add3A_162, %dma_start3A_186] : memref<40x128xi32, #tpu.memory_space<vmem>> -> memref<1x128xi32, #tpu.memory_space<vmem>>
        %dma_start3A_188 = tpu.memref_squeeze %dma_start3A_187 : memref<1x128xi32, #tpu.memory_space<vmem>> -> memref<128xi32, #tpu.memory_space<vmem>>
        %dma_start3A_189 = arith.constant 0 : i32
        %dma_start3A_190 = arith.constant 0 : i32
        %dma_start3A_191 = tpu.memref_slice %arg10[%dma_start3A_189, %dma_start3A_190] : memref<10240x128xf32, #tpu.memory_space<vmem_shared>> -> memref<10240x128xf32, #tpu.memory_space<vmem_shared>>
        tpu.enqueue_indirect_dma source(%arg8 : memref<128x128xf32, #tpu.memory_space<vmem>>) target(%dma_start3A_191 : memref<10240x128xf32, #tpu.memory_space<vmem_shared>>) offsets(%dma_start3A_188 : memref<128xi32, #tpu.memory_space<vmem>>) semaphore(%run_scoped3A : memref<!tpu.dma_semaphore, #tpu.memory_space<semaphore_mem>>) {add = true}
        %dma_wait3A_192 = arith.constant 0 : i32
        %dma_wait3A_193 = tpu.memref_slice %arg7[%add3A_162, %dma_wait3A_192] : memref<40x128xi32, #tpu.memory_space<vmem>> -> memref<1x128xi32, #tpu.memory_space<vmem>>
        %dma_wait3A_194 = tpu.memref_squeeze %dma_wait3A_193 : memref<1x128xi32, #tpu.memory_space<vmem>> -> memref<128xi32, #tpu.memory_space<vmem>>
        %dma_wait3A_195 = arith.constant 0 : i32
        %dma_wait3A_196 = arith.constant 0 : i32
        %dma_wait3A_197 = tpu.memref_slice %arg10[%dma_wait3A_195, %dma_wait3A_196] : memref<10240x128xf32, #tpu.memory_space<vmem_shared>> -> memref<10240x128xf32, #tpu.memory_space<vmem_shared>>
        tpu.wait_indirect_dma semaphore(%run_scoped3A : memref<!tpu.dma_semaphore, #tpu.memory_space<semaphore_mem>>) src(%arg8 : memref<128x128xf32, #tpu.memory_space<vmem>>) dst(%dma_wait3A_197 : memref<10240x128xf32, #tpu.memory_space<vmem_shared>>)
        tpu.yield
      }) : () -> ()
      %add3A_163 = arith.constant 2 : i32
      %add3A_164 = arith.addi %mul3A_154, %add3A_163 : i32
      %add3A_165 = arith.constant 0 : i32
      %add3A_166 = arith.addi %add3A_164, %add3A_165 : i32
      %lt3A = arith.constant 40 : i32
      %lt3A_167 = arith.cmpi slt, %add3A_166, %lt3A : i32
      %convert_element_type3A = arith.extui %lt3A_167 : i1 to i32
      %cond3A = arith.constant 0 : i32
      %cond3A_168 = arith.cmpi ne, %convert_element_type3A, %cond3A : i32
      scf.if %cond3A_168 {
        %dma_start3A_186 = arith.constant 0 : i32
        %dma_start3A_187 = tpu.memref_slice %arg6[%add3A_166, %dma_start3A_186] : memref<40x128xi32, #tpu.memory_space<vmem>> -> memref<1x128xi32, #tpu.memory_space<vmem>>
        %dma_start3A_188 = tpu.memref_squeeze %dma_start3A_187 : memref<1x128xi32, #tpu.memory_space<vmem>> -> memref<128xi32, #tpu.memory_space<vmem>>
        %dma_start3A_189 = arith.constant 0 : i32
        %dma_start3A_190 = arith.constant 0 : i32
        %dma_start3A_191 = tpu.memref_slice %arg2[%dma_start3A_189, %dma_start3A_190] : memref<80000x128xf32, #tpu.memory_space<hbm>> -> memref<80000x128xf32, #tpu.memory_space<hbm>>
        tpu.enqueue_indirect_dma source(%dma_start3A_191 : memref<80000x128xf32, #tpu.memory_space<hbm>>) target(%arg8 : memref<128x128xf32, #tpu.memory_space<vmem>>) offsets(%dma_start3A_188 : memref<128xi32, #tpu.memory_space<vmem>>) semaphore(%arg11 : memref<!tpu.dma_semaphore, #tpu.memory_space<semaphore_mem>>)
      } else {
      }
      %dma_wait3A_169 = arith.constant 0 : i32
      %dma_wait3A_170 = arith.constant 0 : i32
      %dma_wait3A_171 = tpu.memref_slice %arg2[%dma_wait3A_169, %dma_wait3A_170] : memref<80000x128xf32, #tpu.memory_space<hbm>> -> memref<128x128xf32, #tpu.memory_space<hbm>>
      %dma_wait3A_172 = arith.constant 0 : i32
      %dma_wait3A_173 = arith.constant 0 : i32
      %dma_wait3A_174 = tpu.memref_slice %arg2[%dma_wait3A_172, %dma_wait3A_173] : memref<80000x128xf32, #tpu.memory_space<hbm>> -> memref<128x128xf32, #tpu.memory_space<hbm>>
      tpu.wait_dma2 semaphore(%arg12 : memref<!tpu.dma_semaphore, #tpu.memory_space<semaphore_mem>>) src(%dma_wait3A_174 : memref<128x128xf32, #tpu.memory_space<hbm>>) dst(%arg9 : memref<128x128xf32, #tpu.memory_space<vmem>>)
      %add3A_175 = arith.constant 1 : i32
      %add3A_176 = arith.addi %mul3A_154, %add3A_175 : i32
      "tpu.region"() ({
        %run_scoped3A = tpu.sem_alloc : memref<!tpu.dma_semaphore, #tpu.memory_space<semaphore_mem>>
        %dma_start3A_186 = arith.constant 0 : i32
        %dma_start3A_187 = tpu.memref_slice %arg7[%add3A_176, %dma_start3A_186] : memref<40x128xi32, #tpu.memory_space<vmem>> -> memref<1x128xi32, #tpu.memory_space<vmem>>
        %dma_start3A_188 = tpu.memref_squeeze %dma_start3A_187 : memref<1x128xi32, #tpu.memory_space<vmem>> -> memref<128xi32, #tpu.memory_space<vmem>>
        %dma_start3A_189 = arith.constant 0 : i32
        %dma_start3A_190 = arith.constant 0 : i32
        %dma_start3A_191 = tpu.memref_slice %arg10[%dma_start3A_189, %dma_start3A_190] : memref<10240x128xf32, #tpu.memory_space<vmem_shared>> -> memref<10240x128xf32, #tpu.memory_space<vmem_shared>>
        tpu.enqueue_indirect_dma source(%arg9 : memref<128x128xf32, #tpu.memory_space<vmem>>) target(%dma_start3A_191 : memref<10240x128xf32, #tpu.memory_space<vmem_shared>>) offsets(%dma_start3A_188 : memref<128xi32, #tpu.memory_space<vmem>>) semaphore(%run_scoped3A : memref<!tpu.dma_semaphore, #tpu.memory_space<semaphore_mem>>) {add = true}
        %dma_wait3A_192 = arith.constant 0 : i32
        %dma_wait3A_193 = tpu.memref_slice %arg7[%add3A_176, %dma_wait3A_192] : memref<40x128xi32, #tpu.memory_space<vmem>> -> memref<1x128xi32, #tpu.memory_space<vmem>>
        %dma_wait3A_194 = tpu.memref_squeeze %dma_wait3A_193 : memref<1x128xi32, #tpu.memory_space<vmem>> -> memref<128xi32, #tpu.memory_space<vmem>>
        %dma_wait3A_195 = arith.constant 0 : i32
        %dma_wait3A_196 = arith.constant 0 : i32
        %dma_wait3A_197 = tpu.memref_slice %arg10[%dma_wait3A_195, %dma_wait3A_196] : memref<10240x128xf32, #tpu.memory_space<vmem_shared>> -> memref<10240x128xf32, #tpu.memory_space<vmem_shared>>
        tpu.wait_indirect_dma semaphore(%run_scoped3A : memref<!tpu.dma_semaphore, #tpu.memory_space<semaphore_mem>>) src(%arg9 : memref<128x128xf32, #tpu.memory_space<vmem>>) dst(%dma_wait3A_197 : memref<10240x128xf32, #tpu.memory_space<vmem_shared>>)
        tpu.yield
      }) : () -> ()
      %add3A_177 = arith.constant 2 : i32
      %add3A_178 = arith.addi %mul3A_154, %add3A_177 : i32
      %add3A_179 = arith.constant 1 : i32
      %add3A_180 = arith.addi %add3A_178, %add3A_179 : i32
      %lt3A_181 = arith.constant 40 : i32
      %lt3A_182 = arith.cmpi slt, %add3A_180, %lt3A_181 : i32
      %convert_element_type3A_183 = arith.extui %lt3A_182 : i1 to i32
      %cond3A_184 = arith.constant 0 : i32
      %cond3A_185 = arith.cmpi ne, %convert_element_type3A_183, %cond3A_184 : i32
      scf.if %cond3A_185 {
        %dma_start3A_186 = arith.constant 0 : i32
        %dma_start3A_187 = tpu.memref_slice %arg6[%add3A_180, %dma_start3A_186] : memref<40x128xi32, #tpu.memory_space<vmem>> -> memref<1x128xi32, #tpu.memory_space<vmem>>
        %dma_start3A_188 = tpu.memref_squeeze %dma_start3A_187 : memref<1x128xi32, #tpu.memory_space<vmem>> -> memref<128xi32, #tpu.memory_space<vmem>>
        %dma_start3A_189 = arith.constant 0 : i32
        %dma_start3A_190 = arith.constant 0 : i32
        %dma_start3A_191 = tpu.memref_slice %arg2[%dma_start3A_189, %dma_start3A_190] : memref<80000x128xf32, #tpu.memory_space<hbm>> -> memref<80000x128xf32, #tpu.memory_space<hbm>>
        tpu.enqueue_indirect_dma source(%dma_start3A_191 : memref<80000x128xf32, #tpu.memory_space<hbm>>) target(%arg9 : memref<128x128xf32, #tpu.memory_space<vmem>>) offsets(%dma_start3A_188 : memref<128xi32, #tpu.memory_space<vmem>>) semaphore(%arg12 : memref<!tpu.dma_semaphore, #tpu.memory_space<semaphore_mem>>)
      } else {
      }
    }
    %scan3A_35 = arith.constant 20 : i32
    %mul3A_36 = arith.constant 80 : i32
    %mul3A_37 = arith.muli %add3A, %mul3A_36 : i32
    %add3A_38 = arith.constant 40 : i32
    %add3A_39 = arith.addi %mul3A_37, %add3A_38 : i32
    "tpu.region"() ({
      %run_scoped3A = tpu.sem_alloc : memref<!tpu.dma_semaphore, #tpu.memory_space<semaphore_mem>>
      %dma_start3A_148 = arith.constant 0 : i32
      %dma_start3A_149 = tpu.memref_slice %arg3[%add3A_39, %dma_start3A_148] : memref<2560x128xi32, #tpu.memory_space<hbm>> -> memref<40x128xi32, #tpu.memory_space<hbm>>
      %dma_start3A_150 = arith.constant 0 : i32
      %dma_start3A_151 = tpu.memref_slice %arg3[%add3A_39, %dma_start3A_150] : memref<2560x128xi32, #tpu.memory_space<hbm>> -> memref<40x128xi32, #tpu.memory_space<hbm>>
      tpu.enqueue_dma source(%dma_start3A_151 : memref<40x128xi32, #tpu.memory_space<hbm>>) target(%arg6 : memref<40x128xi32, #tpu.memory_space<vmem>>) target_semaphore(%run_scoped3A : memref<!tpu.dma_semaphore, #tpu.memory_space<semaphore_mem>>)
      %dma_wait3A_152 = arith.constant 0 : i32
      %dma_wait3A_153 = tpu.memref_slice %arg3[%add3A_39, %dma_wait3A_152] : memref<2560x128xi32, #tpu.memory_space<hbm>> -> memref<40x128xi32, #tpu.memory_space<hbm>>
      %dma_wait3A_154 = arith.constant 0 : i32
      %dma_wait3A_155 = tpu.memref_slice %arg3[%add3A_39, %dma_wait3A_154] : memref<2560x128xi32, #tpu.memory_space<hbm>> -> memref<40x128xi32, #tpu.memory_space<hbm>>
      tpu.wait_dma2 semaphore(%run_scoped3A : memref<!tpu.dma_semaphore, #tpu.memory_space<semaphore_mem>>) src(%dma_wait3A_155 : memref<40x128xi32, #tpu.memory_space<hbm>>) dst(%arg6 : memref<40x128xi32, #tpu.memory_space<vmem>>)
      tpu.yield
    }) : () -> ()
    %mul3A_40 = arith.constant 80 : i32
    %mul3A_41 = arith.muli %add3A, %mul3A_40 : i32
    %add3A_42 = arith.constant 40 : i32
    %add3A_43 = arith.addi %mul3A_41, %add3A_42 : i32
    "tpu.region"() ({
      %run_scoped3A = tpu.sem_alloc : memref<!tpu.dma_semaphore, #tpu.memory_space<semaphore_mem>>
      %dma_start3A_148 = arith.constant 0 : i32
      %dma_start3A_149 = tpu.memref_slice %arg4[%add3A_43, %dma_start3A_148] : memref<2560x128xi32, #tpu.memory_space<hbm>> -> memref<40x128xi32, #tpu.memory_space<hbm>>
      %dma_start3A_150 = arith.constant 0 : i32
      %dma_start3A_151 = tpu.memref_slice %arg4[%add3A_43, %dma_start3A_150] : memref<2560x128xi32, #tpu.memory_space<hbm>> -> memref<40x128xi32, #tpu.memory_space<hbm>>
      tpu.enqueue_dma source(%dma_start3A_151 : memref<40x128xi32, #tpu.memory_space<hbm>>) target(%arg7 : memref<40x128xi32, #tpu.memory_space<vmem>>) target_semaphore(%run_scoped3A : memref<!tpu.dma_semaphore, #tpu.memory_space<semaphore_mem>>)
      %dma_wait3A_152 = arith.constant 0 : i32
      %dma_wait3A_153 = tpu.memref_slice %arg4[%add3A_43, %dma_wait3A_152] : memref<2560x128xi32, #tpu.memory_space<hbm>> -> memref<40x128xi32, #tpu.memory_space<hbm>>
      %dma_wait3A_154 = arith.constant 0 : i32
      %dma_wait3A_155 = tpu.memref_slice %arg4[%add3A_43, %dma_wait3A_154] : memref<2560x128xi32, #tpu.memory_space<hbm>> -> memref<40x128xi32, #tpu.memory_space<hbm>>
      tpu.wait_dma2 semaphore(%run_scoped3A : memref<!tpu.dma_semaphore, #tpu.memory_space<semaphore_mem>>) src(%dma_wait3A_155 : memref<40x128xi32, #tpu.memory_space<hbm>>) dst(%arg7 : memref<40x128xi32, #tpu.memory_space<vmem>>)
      tpu.yield
    }) : () -> ()
    %dma_start3A_44 = arith.constant 0 : i32
    %dma_start3A_45 = arith.constant 0 : i32
    %dma_start3A_46 = tpu.memref_slice %arg6[%dma_start3A_44, %dma_start3A_45] : memref<40x128xi32, #tpu.memory_space<vmem>> -> memref<1x128xi32, #tpu.memory_space<vmem>>
    %dma_start3A_47 = tpu.memref_squeeze %dma_start3A_46 : memref<1x128xi32, #tpu.memory_space<vmem>> -> memref<128xi32, #tpu.memory_space<vmem>>
    %dma_start3A_48 = arith.constant 0 : i32
    %dma_start3A_49 = arith.constant 0 : i32
    %dma_start3A_50 = tpu.memref_slice %arg2[%dma_start3A_48, %dma_start3A_49] : memref<80000x128xf32, #tpu.memory_space<hbm>> -> memref<80000x128xf32, #tpu.memory_space<hbm>>
    tpu.enqueue_indirect_dma source(%dma_start3A_50 : memref<80000x128xf32, #tpu.memory_space<hbm>>) target(%arg8 : memref<128x128xf32, #tpu.memory_space<vmem>>) offsets(%dma_start3A_47 : memref<128xi32, #tpu.memory_space<vmem>>) semaphore(%arg11 : memref<!tpu.dma_semaphore, #tpu.memory_space<semaphore_mem>>)
    %dma_start3A_51 = arith.constant 1 : i32
    %dma_start3A_52 = arith.constant 0 : i32
    %dma_start3A_53 = tpu.memref_slice %arg6[%dma_start3A_51, %dma_start3A_52] : memref<40x128xi32, #tpu.memory_space<vmem>> -> memref<1x128xi32, #tpu.memory_space<vmem>>
    %dma_start3A_54 = tpu.memref_squeeze %dma_start3A_53 : memref<1x128xi32, #tpu.memory_space<vmem>> -> memref<128xi32, #tpu.memory_space<vmem>>
    %dma_start3A_55 = arith.constant 0 : i32
    %dma_start3A_56 = arith.constant 0 : i32
    %dma_start3A_57 = tpu.memref_slice %arg2[%dma_start3A_55, %dma_start3A_56] : memref<80000x128xf32, #tpu.memory_space<hbm>> -> memref<80000x128xf32, #tpu.memory_space<hbm>>
    tpu.enqueue_indirect_dma source(%dma_start3A_57 : memref<80000x128xf32, #tpu.memory_space<hbm>>) target(%arg9 : memref<128x128xf32, #tpu.memory_space<vmem>>) offsets(%dma_start3A_54 : memref<128xi32, #tpu.memory_space<vmem>>) semaphore(%arg12 : memref<!tpu.dma_semaphore, #tpu.memory_space<semaphore_mem>>)
    %scan3A_58 = arith.constant 0 : i32
    %scan3A_59 = arith.constant 20 : i32
    %scan3A_60 = arith.addi %scan3A_58, %scan3A_59 : i32
    %scan3A_61 = arith.constant 1 : i32
    scf.for %scan3A_148 = %scan3A_58 to %scan3A_60 step %scan3A_61  : i32 {
      %mul3A_149 = arith.constant 1 : i32
      %mul3A_150 = arith.muli %scan3A_148, %mul3A_149 : i32
      %add3A_151 = arith.constant 0 : i32
      %add3A_152 = arith.addi %add3A_151, %mul3A_150 : i32
      %mul3A_153 = arith.constant 2 : i32
      %mul3A_154 = arith.muli %add3A_152, %mul3A_153 : i32
      %dma_wait3A_155 = arith.constant 0 : i32
      %dma_wait3A_156 = arith.constant 0 : i32
      %dma_wait3A_157 = tpu.memref_slice %arg2[%dma_wait3A_155, %dma_wait3A_156] : memref<80000x128xf32, #tpu.memory_space<hbm>> -> memref<128x128xf32, #tpu.memory_space<hbm>>
      %dma_wait3A_158 = arith.constant 0 : i32
      %dma_wait3A_159 = arith.constant 0 : i32
      %dma_wait3A_160 = tpu.memref_slice %arg2[%dma_wait3A_158, %dma_wait3A_159] : memref<80000x128xf32, #tpu.memory_space<hbm>> -> memref<128x128xf32, #tpu.memory_space<hbm>>
      tpu.wait_dma2 semaphore(%arg11 : memref<!tpu.dma_semaphore, #tpu.memory_space<semaphore_mem>>) src(%dma_wait3A_160 : memref<128x128xf32, #tpu.memory_space<hbm>>) dst(%arg8 : memref<128x128xf32, #tpu.memory_space<vmem>>)
      %add3A_161 = arith.constant 0 : i32
      %add3A_162 = arith.addi %mul3A_154, %add3A_161 : i32
      "tpu.region"() ({
        %run_scoped3A = tpu.sem_alloc : memref<!tpu.dma_semaphore, #tpu.memory_space<semaphore_mem>>
        %dma_start3A_186 = arith.constant 0 : i32
        %dma_start3A_187 = tpu.memref_slice %arg7[%add3A_162, %dma_start3A_186] : memref<40x128xi32, #tpu.memory_space<vmem>> -> memref<1x128xi32, #tpu.memory_space<vmem>>
        %dma_start3A_188 = tpu.memref_squeeze %dma_start3A_187 : memref<1x128xi32, #tpu.memory_space<vmem>> -> memref<128xi32, #tpu.memory_space<vmem>>
        %dma_start3A_189 = arith.constant 0 : i32
        %dma_start3A_190 = arith.constant 0 : i32
        %dma_start3A_191 = tpu.memref_slice %arg10[%dma_start3A_189, %dma_start3A_190] : memref<10240x128xf32, #tpu.memory_space<vmem_shared>> -> memref<10240x128xf32, #tpu.memory_space<vmem_shared>>
        tpu.enqueue_indirect_dma source(%arg8 : memref<128x128xf32, #tpu.memory_space<vmem>>) target(%dma_start3A_191 : memref<10240x128xf32, #tpu.memory_space<vmem_shared>>) offsets(%dma_start3A_188 : memref<128xi32, #tpu.memory_space<vmem>>) semaphore(%run_scoped3A : memref<!tpu.dma_semaphore, #tpu.memory_space<semaphore_mem>>) {add = true}
        %dma_wait3A_192 = arith.constant 0 : i32
        %dma_wait3A_193 = tpu.memref_slice %arg7[%add3A_162, %dma_wait3A_192] : memref<40x128xi32, #tpu.memory_space<vmem>> -> memref<1x128xi32, #tpu.memory_space<vmem>>
        %dma_wait3A_194 = tpu.memref_squeeze %dma_wait3A_193 : memref<1x128xi32, #tpu.memory_space<vmem>> -> memref<128xi32, #tpu.memory_space<vmem>>
        %dma_wait3A_195 = arith.constant 0 : i32
        %dma_wait3A_196 = arith.constant 0 : i32
        %dma_wait3A_197 = tpu.memref_slice %arg10[%dma_wait3A_195, %dma_wait3A_196] : memref<10240x128xf32, #tpu.memory_space<vmem_shared>> -> memref<10240x128xf32, #tpu.memory_space<vmem_shared>>
        tpu.wait_indirect_dma semaphore(%run_scoped3A : memref<!tpu.dma_semaphore, #tpu.memory_space<semaphore_mem>>) src(%arg8 : memref<128x128xf32, #tpu.memory_space<vmem>>) dst(%dma_wait3A_197 : memref<10240x128xf32, #tpu.memory_space<vmem_shared>>)
        tpu.yield
      }) : () -> ()
      %add3A_163 = arith.constant 2 : i32
      %add3A_164 = arith.addi %mul3A_154, %add3A_163 : i32
      %add3A_165 = arith.constant 0 : i32
      %add3A_166 = arith.addi %add3A_164, %add3A_165 : i32
      %lt3A = arith.constant 40 : i32
      %lt3A_167 = arith.cmpi slt, %add3A_166, %lt3A : i32
      %convert_element_type3A = arith.extui %lt3A_167 : i1 to i32
      %cond3A = arith.constant 0 : i32
      %cond3A_168 = arith.cmpi ne, %convert_element_type3A, %cond3A : i32
      scf.if %cond3A_168 {
        %dma_start3A_186 = arith.constant 0 : i32
        %dma_start3A_187 = tpu.memref_slice %arg6[%add3A_166, %dma_start3A_186] : memref<40x128xi32, #tpu.memory_space<vmem>> -> memref<1x128xi32, #tpu.memory_space<vmem>>
        %dma_start3A_188 = tpu.memref_squeeze %dma_start3A_187 : memref<1x128xi32, #tpu.memory_space<vmem>> -> memref<128xi32, #tpu.memory_space<vmem>>
        %dma_start3A_189 = arith.constant 0 : i32
        %dma_start3A_190 = arith.constant 0 : i32
        %dma_start3A_191 = tpu.memref_slice %arg2[%dma_start3A_189, %dma_start3A_190] : memref<80000x128xf32, #tpu.memory_space<hbm>> -> memref<80000x128xf32, #tpu.memory_space<hbm>>
        tpu.enqueue_indirect_dma source(%dma_start3A_191 : memref<80000x128xf32, #tpu.memory_space<hbm>>) target(%arg8 : memref<128x128xf32, #tpu.memory_space<vmem>>) offsets(%dma_start3A_188 : memref<128xi32, #tpu.memory_space<vmem>>) semaphore(%arg11 : memref<!tpu.dma_semaphore, #tpu.memory_space<semaphore_mem>>)
      } else {
      }
      %dma_wait3A_169 = arith.constant 0 : i32
      %dma_wait3A_170 = arith.constant 0 : i32
      %dma_wait3A_171 = tpu.memref_slice %arg2[%dma_wait3A_169, %dma_wait3A_170] : memref<80000x128xf32, #tpu.memory_space<hbm>> -> memref<128x128xf32, #tpu.memory_space<hbm>>
      %dma_wait3A_172 = arith.constant 0 : i32
      %dma_wait3A_173 = arith.constant 0 : i32
      %dma_wait3A_174 = tpu.memref_slice %arg2[%dma_wait3A_172, %dma_wait3A_173] : memref<80000x128xf32, #tpu.memory_space<hbm>> -> memref<128x128xf32, #tpu.memory_space<hbm>>
      tpu.wait_dma2 semaphore(%arg12 : memref<!tpu.dma_semaphore, #tpu.memory_space<semaphore_mem>>) src(%dma_wait3A_174 : memref<128x128xf32, #tpu.memory_space<hbm>>) dst(%arg9 : memref<128x128xf32, #tpu.memory_space<vmem>>)
      %add3A_175 = arith.constant 1 : i32
      %add3A_176 = arith.addi %mul3A_154, %add3A_175 : i32
      "tpu.region"() ({
        %run_scoped3A = tpu.sem_alloc : memref<!tpu.dma_semaphore, #tpu.memory_space<semaphore_mem>>
        %dma_start3A_186 = arith.constant 0 : i32
        %dma_start3A_187 = tpu.memref_slice %arg7[%add3A_176, %dma_start3A_186] : memref<40x128xi32, #tpu.memory_space<vmem>> -> memref<1x128xi32, #tpu.memory_space<vmem>>
        %dma_start3A_188 = tpu.memref_squeeze %dma_start3A_187 : memref<1x128xi32, #tpu.memory_space<vmem>> -> memref<128xi32, #tpu.memory_space<vmem>>
        %dma_start3A_189 = arith.constant 0 : i32
        %dma_start3A_190 = arith.constant 0 : i32
        %dma_start3A_191 = tpu.memref_slice %arg10[%dma_start3A_189, %dma_start3A_190] : memref<10240x128xf32, #tpu.memory_space<vmem_shared>> -> memref<10240x128xf32, #tpu.memory_space<vmem_shared>>
        tpu.enqueue_indirect_dma source(%arg9 : memref<128x128xf32, #tpu.memory_space<vmem>>) target(%dma_start3A_191 : memref<10240x128xf32, #tpu.memory_space<vmem_shared>>) offsets(%dma_start3A_188 : memref<128xi32, #tpu.memory_space<vmem>>) semaphore(%run_scoped3A : memref<!tpu.dma_semaphore, #tpu.memory_space<semaphore_mem>>) {add = true}
        %dma_wait3A_192 = arith.constant 0 : i32
        %dma_wait3A_193 = tpu.memref_slice %arg7[%add3A_176, %dma_wait3A_192] : memref<40x128xi32, #tpu.memory_space<vmem>> -> memref<1x128xi32, #tpu.memory_space<vmem>>
        %dma_wait3A_194 = tpu.memref_squeeze %dma_wait3A_193 : memref<1x128xi32, #tpu.memory_space<vmem>> -> memref<128xi32, #tpu.memory_space<vmem>>
        %dma_wait3A_195 = arith.constant 0 : i32
        %dma_wait3A_196 = arith.constant 0 : i32
        %dma_wait3A_197 = tpu.memref_slice %arg10[%dma_wait3A_195, %dma_wait3A_196] : memref<10240x128xf32, #tpu.memory_space<vmem_shared>> -> memref<10240x128xf32, #tpu.memory_space<vmem_shared>>
        tpu.wait_indirect_dma semaphore(%run_scoped3A : memref<!tpu.dma_semaphore, #tpu.memory_space<semaphore_mem>>) src(%arg9 : memref<128x128xf32, #tpu.memory_space<vmem>>) dst(%dma_wait3A_197 : memref<10240x128xf32, #tpu.memory_space<vmem_shared>>)
        tpu.yield
      }) : () -> ()
      %add3A_177 = arith.constant 2 : i32
      %add3A_178 = arith.addi %mul3A_154, %add3A_177 : i32
      %add3A_179 = arith.constant 1 : i32
      %add3A_180 = arith.addi %add3A_178, %add3A_179 : i32
      %lt3A_181 = arith.constant 40 : i32
      %lt3A_182 = arith.cmpi slt, %add3A_180, %lt3A_181 : i32
      %convert_element_type3A_183 = arith.extui %lt3A_182 : i1 to i32
      %cond3A_184 = arith.constant 0 : i32
      %cond3A_185 = arith.cmpi ne, %convert_element_type3A_183, %cond3A_184 : i32
      scf.if %cond3A_185 {
        %dma_start3A_186 = arith.constant 0 : i32
        %dma_start3A_187 = tpu.memref_slice %arg6[%add3A_180, %dma_start3A_186] : memref<40x128xi32, #tpu.memory_space<vmem>> -> memref<1x128xi32, #tpu.memory_space<vmem>>
        %dma_start3A_188 = tpu.memref_squeeze %dma_start3A_187 : memref<1x128xi32, #tpu.memory_space<vmem>> -> memref<128xi32, #tpu.memory_space<vmem>>
        %dma_start3A_189 = arith.constant 0 : i32
        %dma_start3A_190 = arith.constant 0 : i32
        %dma_start3A_191 = tpu.memref_slice %arg2[%dma_start3A_189, %dma_start3A_190] : memref<80000x128xf32, #tpu.memory_space<hbm>> -> memref<80000x128xf32, #tpu.memory_space<hbm>>
        tpu.enqueue_indirect_dma source(%dma_start3A_191 : memref<80000x128xf32, #tpu.memory_space<hbm>>) target(%arg9 : memref<128x128xf32, #tpu.memory_space<vmem>>) offsets(%dma_start3A_188 : memref<128xi32, #tpu.memory_space<vmem>>) semaphore(%arg12 : memref<!tpu.dma_semaphore, #tpu.memory_space<semaphore_mem>>)
      } else {
      }
    }
    %scan3A_62 = arith.constant 20 : i32
    %barrier3A_63 = arith.constant 0 : index
    tpu.barrier barrier_id(%barrier3A_63)
    %mul3A_64 = arith.constant 640 : i32
    %mul3A_65 = arith.muli %arg1, %mul3A_64 : i32
    %add3A_66 = arith.constant 0 : i32
    %add3A_67 = arith.addi %mul3A_65, %add3A_66 : i32
    %mul3A_68 = arith.constant 10240 : i32
    %mul3A_69 = arith.muli %arg0, %mul3A_68 : i32
    %add3A_70 = arith.addi %mul3A_69, %add3A_67 : i32
    %dma_start3A_71 = arith.constant 0 : i32
    %dma_start3A_72 = tpu.memref_slice %arg5[%add3A_70, %dma_start3A_71] : memref<20480x128xf32, #tpu.memory_space<hbm>> -> memref<128x128xf32, #tpu.memory_space<hbm>>
    %dma_start3A_73 = arith.constant 0 : i32
    %dma_start3A_74 = tpu.memref_slice %arg10[%add3A_67, %dma_start3A_73] : memref<10240x128xf32, #tpu.memory_space<vmem_shared>> -> memref<128x128xf32, #tpu.memory_space<vmem_shared>>
    tpu.enqueue_dma source(%dma_start3A_74 : memref<128x128xf32, #tpu.memory_space<vmem_shared>>) target(%dma_start3A_72 : memref<128x128xf32, #tpu.memory_space<hbm>>) target_semaphore(%arg11 : memref<!tpu.dma_semaphore, #tpu.memory_space<semaphore_mem>>)
    %mul3A_75 = arith.constant 640 : i32
    %mul3A_76 = arith.muli %arg1, %mul3A_75 : i32
    %add3A_77 = arith.constant 128 : i32
    %add3A_78 = arith.addi %mul3A_76, %add3A_77 : i32
    %mul3A_79 = arith.constant 10240 : i32
    %mul3A_80 = arith.muli %arg0, %mul3A_79 : i32
    %add3A_81 = arith.addi %mul3A_80, %add3A_78 : i32
    %dma_start3A_82 = arith.constant 0 : i32
    %dma_start3A_83 = tpu.memref_slice %arg5[%add3A_81, %dma_start3A_82] : memref<20480x128xf32, #tpu.memory_space<hbm>> -> memref<128x128xf32, #tpu.memory_space<hbm>>
    %dma_start3A_84 = arith.constant 0 : i32
    %dma_start3A_85 = tpu.memref_slice %arg10[%add3A_78, %dma_start3A_84] : memref<10240x128xf32, #tpu.memory_space<vmem_shared>> -> memref<128x128xf32, #tpu.memory_space<vmem_shared>>
    tpu.enqueue_dma source(%dma_start3A_85 : memref<128x128xf32, #tpu.memory_space<vmem_shared>>) target(%dma_start3A_83 : memref<128x128xf32, #tpu.memory_space<hbm>>) target_semaphore(%arg11 : memref<!tpu.dma_semaphore, #tpu.memory_space<semaphore_mem>>)
    %mul3A_86 = arith.constant 640 : i32
    %mul3A_87 = arith.muli %arg1, %mul3A_86 : i32
    %add3A_88 = arith.constant 256 : i32
    %add3A_89 = arith.addi %mul3A_87, %add3A_88 : i32
    %mul3A_90 = arith.constant 10240 : i32
    %mul3A_91 = arith.muli %arg0, %mul3A_90 : i32
    %add3A_92 = arith.addi %mul3A_91, %add3A_89 : i32
    %dma_start3A_93 = arith.constant 0 : i32
    %dma_start3A_94 = tpu.memref_slice %arg5[%add3A_92, %dma_start3A_93] : memref<20480x128xf32, #tpu.memory_space<hbm>> -> memref<128x128xf32, #tpu.memory_space<hbm>>
    %dma_start3A_95 = arith.constant 0 : i32
    %dma_start3A_96 = tpu.memref_slice %arg10[%add3A_89, %dma_start3A_95] : memref<10240x128xf32, #tpu.memory_space<vmem_shared>> -> memref<128x128xf32, #tpu.memory_space<vmem_shared>>
    tpu.enqueue_dma source(%dma_start3A_96 : memref<128x128xf32, #tpu.memory_space<vmem_shared>>) target(%dma_start3A_94 : memref<128x128xf32, #tpu.memory_space<hbm>>) target_semaphore(%arg11 : memref<!tpu.dma_semaphore, #tpu.memory_space<semaphore_mem>>)
    %mul3A_97 = arith.constant 640 : i32
    %mul3A_98 = arith.muli %arg1, %mul3A_97 : i32
    %add3A_99 = arith.constant 384 : i32
    %add3A_100 = arith.addi %mul3A_98, %add3A_99 : i32
    %mul3A_101 = arith.constant 10240 : i32
    %mul3A_102 = arith.muli %arg0, %mul3A_101 : i32
    %add3A_103 = arith.addi %mul3A_102, %add3A_100 : i32
    %dma_start3A_104 = arith.constant 0 : i32
    %dma_start3A_105 = tpu.memref_slice %arg5[%add3A_103, %dma_start3A_104] : memref<20480x128xf32, #tpu.memory_space<hbm>> -> memref<128x128xf32, #tpu.memory_space<hbm>>
    %dma_start3A_106 = arith.constant 0 : i32
    %dma_start3A_107 = tpu.memref_slice %arg10[%add3A_100, %dma_start3A_106] : memref<10240x128xf32, #tpu.memory_space<vmem_shared>> -> memref<128x128xf32, #tpu.memory_space<vmem_shared>>
    tpu.enqueue_dma source(%dma_start3A_107 : memref<128x128xf32, #tpu.memory_space<vmem_shared>>) target(%dma_start3A_105 : memref<128x128xf32, #tpu.memory_space<hbm>>) target_semaphore(%arg11 : memref<!tpu.dma_semaphore, #tpu.memory_space<semaphore_mem>>)
    %mul3A_108 = arith.constant 640 : i32
    %mul3A_109 = arith.muli %arg1, %mul3A_108 : i32
    %add3A_110 = arith.constant 512 : i32
    %add3A_111 = arith.addi %mul3A_109, %add3A_110 : i32
    %mul3A_112 = arith.constant 10240 : i32
    %mul3A_113 = arith.muli %arg0, %mul3A_112 : i32
    %add3A_114 = arith.addi %mul3A_113, %add3A_111 : i32
    %dma_start3A_115 = arith.constant 0 : i32
    %dma_start3A_116 = tpu.memref_slice %arg5[%add3A_114, %dma_start3A_115] : memref<20480x128xf32, #tpu.memory_space<hbm>> -> memref<128x128xf32, #tpu.memory_space<hbm>>
    %dma_start3A_117 = arith.constant 0 : i32
    %dma_start3A_118 = tpu.memref_slice %arg10[%add3A_111, %dma_start3A_117] : memref<10240x128xf32, #tpu.memory_space<vmem_shared>> -> memref<128x128xf32, #tpu.memory_space<vmem_shared>>
    tpu.enqueue_dma source(%dma_start3A_118 : memref<128x128xf32, #tpu.memory_space<vmem_shared>>) target(%dma_start3A_116 : memref<128x128xf32, #tpu.memory_space<hbm>>) target_semaphore(%arg11 : memref<!tpu.dma_semaphore, #tpu.memory_space<semaphore_mem>>)
    %dma_wait3A = arith.constant 0 : i32
    %dma_wait3A_119 = arith.constant 0 : i32
    %dma_wait3A_120 = tpu.memref_slice %arg5[%dma_wait3A, %dma_wait3A_119] : memref<20480x128xf32, #tpu.memory_space<hbm>> -> memref<128x128xf32, #tpu.memory_space<hbm>>
    %dma_wait3A_121 = arith.constant 0 : i32
    %dma_wait3A_122 = arith.constant 0 : i32
    %dma_wait3A_123 = tpu.memref_slice %arg10[%dma_wait3A_121, %dma_wait3A_122] : memref<10240x128xf32, #tpu.memory_space<vmem_shared>> -> memref<128x128xf32, #tpu.memory_space<vmem_shared>>
    tpu.wait_dma2 semaphore(%arg11 : memref<!tpu.dma_semaphore, #tpu.memory_space<semaphore_mem>>) src(%dma_wait3A_123 : memref<128x128xf32, #tpu.memory_space<vmem_shared>>) dst(%dma_wait3A_120 : memref<128x128xf32, #tpu.memory_space<hbm>>)
    %dma_wait3A_124 = arith.constant 0 : i32
    %dma_wait3A_125 = arith.constant 0 : i32
    %dma_wait3A_126 = tpu.memref_slice %arg5[%dma_wait3A_124, %dma_wait3A_125] : memref<20480x128xf32, #tpu.memory_space<hbm>> -> memref<128x128xf32, #tpu.memory_space<hbm>>
    %dma_wait3A_127 = arith.constant 0 : i32
    %dma_wait3A_128 = arith.constant 0 : i32
    %dma_wait3A_129 = tpu.memref_slice %arg10[%dma_wait3A_127, %dma_wait3A_128] : memref<10240x128xf32, #tpu.memory_space<vmem_shared>> -> memref<128x128xf32, #tpu.memory_space<vmem_shared>>
    tpu.wait_dma2 semaphore(%arg11 : memref<!tpu.dma_semaphore, #tpu.memory_space<semaphore_mem>>) src(%dma_wait3A_129 : memref<128x128xf32, #tpu.memory_space<vmem_shared>>) dst(%dma_wait3A_126 : memref<128x128xf32, #tpu.memory_space<hbm>>)
    %dma_wait3A_130 = arith.constant 0 : i32
    %dma_wait3A_131 = arith.constant 0 : i32
    %dma_wait3A_132 = tpu.memref_slice %arg5[%dma_wait3A_130, %dma_wait3A_131] : memref<20480x128xf32, #tpu.memory_space<hbm>> -> memref<128x128xf32, #tpu.memory_space<hbm>>
    %dma_wait3A_133 = arith.constant 0 : i32
    %dma_wait3A_134 = arith.constant 0 : i32
    %dma_wait3A_135 = tpu.memref_slice %arg10[%dma_wait3A_133, %dma_wait3A_134] : memref<10240x128xf32, #tpu.memory_space<vmem_shared>> -> memref<128x128xf32, #tpu.memory_space<vmem_shared>>
    tpu.wait_dma2 semaphore(%arg11 : memref<!tpu.dma_semaphore, #tpu.memory_space<semaphore_mem>>) src(%dma_wait3A_135 : memref<128x128xf32, #tpu.memory_space<vmem_shared>>) dst(%dma_wait3A_132 : memref<128x128xf32, #tpu.memory_space<hbm>>)
    %dma_wait3A_136 = arith.constant 0 : i32
    %dma_wait3A_137 = arith.constant 0 : i32
    %dma_wait3A_138 = tpu.memref_slice %arg5[%dma_wait3A_136, %dma_wait3A_137] : memref<20480x128xf32, #tpu.memory_space<hbm>> -> memref<128x128xf32, #tpu.memory_space<hbm>>
    %dma_wait3A_139 = arith.constant 0 : i32
    %dma_wait3A_140 = arith.constant 0 : i32
    %dma_wait3A_141 = tpu.memref_slice %arg10[%dma_wait3A_139, %dma_wait3A_140] : memref<10240x128xf32, #tpu.memory_space<vmem_shared>> -> memref<128x128xf32, #tpu.memory_space<vmem_shared>>
    tpu.wait_dma2 semaphore(%arg11 : memref<!tpu.dma_semaphore, #tpu.memory_space<semaphore_mem>>) src(%dma_wait3A_141 : memref<128x128xf32, #tpu.memory_space<vmem_shared>>) dst(%dma_wait3A_138 : memref<128x128xf32, #tpu.memory_space<hbm>>)
    %dma_wait3A_142 = arith.constant 0 : i32
    %dma_wait3A_143 = arith.constant 0 : i32
    %dma_wait3A_144 = tpu.memref_slice %arg5[%dma_wait3A_142, %dma_wait3A_143] : memref<20480x128xf32, #tpu.memory_space<hbm>> -> memref<128x128xf32, #tpu.memory_space<hbm>>
    %dma_wait3A_145 = arith.constant 0 : i32
    %dma_wait3A_146 = arith.constant 0 : i32
    %dma_wait3A_147 = tpu.memref_slice %arg10[%dma_wait3A_145, %dma_wait3A_146] : memref<10240x128xf32, #tpu.memory_space<vmem_shared>> -> memref<128x128xf32, #tpu.memory_space<vmem_shared>>
    tpu.wait_dma2 semaphore(%arg11 : memref<!tpu.dma_semaphore, #tpu.memory_space<semaphore_mem>>) src(%dma_wait3A_147 : memref<128x128xf32, #tpu.memory_space<vmem_shared>>) dst(%dma_wait3A_144 : memref<128x128xf32, #tpu.memory_space<hbm>>)
    return
  }
}

#map = affine_map<(d0, d1) -> (0, 0)>
module attributes {stable_mosaic.version = 14 : i64} {
  func.func @k(%arg0: i32, %arg1: i32, %arg2: memref<80000x128xf32, #tpu.memory_space<hbm>>, %arg3: memref<2560x128xi32, #tpu.memory_space<hbm>>, %arg4: memref<2560x128xi32, #tpu.memory_space<hbm>>, %arg5: memref<20480x128xf32, #tpu.memory_space<hbm>>, %arg6: memref<40x128xi32, #tpu.memory_space<vmem>>, %arg7: memref<40x128xi32, #tpu.memory_space<vmem>>, %arg8: memref<128x128xf32, #tpu.memory_space<vmem>>, %arg9: memref<128x128xf32, #tpu.memory_space<vmem>>, %arg10: memref<10240x128xf32, #tpu.memory_space<vmem_shared>>, %arg11: memref<!tpu.dma_semaphore, #tpu.memory_space<semaphore_mem>>, %arg12: memref<!tpu.dma_semaphore, #tpu.memory_space<semaphore_mem>>) attributes {dimension_semantics = [#tpu.dimension_semantics<core_parallel>, #tpu.dimension_semantics<subcore_parallel>], iteration_bounds = array<i64: 2, 16>, scalar_prefetch = 0 : i64, scratch_operands = 7 : i64, tpu.core_type = #tpu.core_type<sc_vector_subcore>, window_params = [{transform_indices = #map}, {transform_indices = #map}, {transform_indices = #map}, {transform_indices = #map}]} {
    %mul3A = arith.constant 2 : i32
    %mul3A_0 = arith.muli %arg1, %mul3A : i32
    %add3A = arith.addi %mul3A_0, %arg0 : i32
    %scan3A = arith.constant 0 : i32
    %scan3A_1 = arith.constant 128 : i32
    %scan3A_2 = arith.addi %scan3A, %scan3A_1 : i32
    %scan3A_3 = arith.constant 1 : i32
    scf.for %scan3A_148 = %scan3A to %scan3A_2 step %scan3A_3  : i32 {
      %mul3A_149 = arith.constant 1 : i32
      %mul3A_150 = arith.muli %scan3A_148, %mul3A_149 : i32
      %add3A_151 = arith.constant 0 : i32
      %add3A_152 = arith.addi %add3A_151, %mul3A_150 : i32
      %scan3A_153 = arith.constant 0 : i32
      %scan3A_154 = arith.constant 8 : i32
      %scan3A_155 = arith.addi %scan3A_153, %scan3A_154 : i32
      %scan3A_156 = arith.constant 1 : i32
      scf.for %scan3A_158 = %scan3A_153 to %scan3A_155 step %scan3A_156  : i32 {
        %mul3A_159 = arith.constant 1 : i32
        %mul3A_160 = arith.muli %scan3A_158, %mul3A_159 : i32
        %add3A_161 = arith.constant 0 : i32
        %add3A_162 = arith.addi %add3A_161, %mul3A_160 : i32
        %broadcast_in_dim3A = arith.constant 0.000000e+00 : f32
        %broadcast_in_dim3A_163 = vector.broadcast %broadcast_in_dim3A : f32 to vector<16xf32>
        %mul3A_164 = arith.constant 16 : i32
        %mul3A_165 = arith.muli %add3A_162, %mul3A_164 : i32
        %swap3A = arith.index_cast %add3A_152 : i32 to index
        %swap3A_166 = arith.index_cast %mul3A_165 : i32 to index
        %swap3A_167 = tpu.vector_load %arg8[%swap3A, %swap3A_166] {strides = array<i32>} : memref<128x128xf32, #tpu.memory_space<vmem>>, vector<1x16xf32>,
        %swap3A_168 = vector.shape_cast %swap3A_167 : vector<1x16xf32> to vector<16xf32>
        %swap3A_169 = vector.shape_cast %broadcast_in_dim3A_163 : vector<16xf32> to vector<1x16xf32>
        tpu.vector_store %arg8[%swap3A, %swap3A_166], %swap3A_169 {strides = array<i32>} : memref<128x128xf32, #tpu.memory_space<vmem>>, vector<1x16xf32>,
      }
      %scan3A_157 = arith.constant 8 : i32
    }
    %scan3A_4 = arith.constant 128 : i32
    %scan3A_5 = arith.constant 0 : i32
    %scan3A_6 = arith.constant 5 : i32
    %scan3A_7 = arith.addi %scan3A_5, %scan3A_6 : i32
    %scan3A_8 = arith.constant 1 : i32
    scf.for %scan3A_148 = %scan3A_5 to %scan3A_7 step %scan3A_8  : i32 {
      %mul3A_149 = arith.constant 1 : i32
      %mul3A_150 = arith.muli %scan3A_148, %mul3A_149 : i32
      %add3A_151 = arith.constant 0 : i32
      %add3A_152 = arith.addi %add3A_151, %mul3A_150 : i32
      %mul3A_153 = arith.constant 640 : i32
      %mul3A_154 = arith.muli %arg1, %mul3A_153 : i32
      %mul3A_155 = arith.constant 128 : i32
      %mul3A_156 = arith.muli %add3A_152, %mul3A_155 : i32
      %add3A_157 = arith.addi %mul3A_154, %mul3A_156 : i32
      "tpu.region"() ({
        %run_scoped3A = tpu.sem_alloc : memref<!tpu.dma_semaphore, #tpu.memory_space<semaphore_mem>>
        %dma_start3A_158 = arith.constant 0 : i32
        %dma_start3A_159 = tpu.memref_slice %arg10[%add3A_157, %dma_start3A_158] : memref<10240x128xf32, #tpu.memory_space<vmem_shared>> -> memref<128x128xf32, #tpu.memory_space<vmem_shared>>
        %dma_start3A_160 = arith.constant 0 : i32
        %dma_start3A_161 = tpu.memref_slice %arg10[%add3A_157, %dma_start3A_160] : memref<10240x128xf32, #tpu.memory_space<vmem_shared>> -> memref<128x128xf32, #tpu.memory_space<vmem_shared>>
        tpu.enqueue_dma source(%arg8 : memref<128x128xf32, #tpu.memory_space<vmem>>) target(%dma_start3A_161 : memref<128x128xf32, #tpu.memory_space<vmem_shared>>) target_semaphore(%run_scoped3A : memref<!tpu.dma_semaphore, #tpu.memory_space<semaphore_mem>>)
        %dma_wait3A_162 = arith.constant 0 : i32
        %dma_wait3A_163 = tpu.memref_slice %arg10[%add3A_157, %dma_wait3A_162] : memref<10240x128xf32, #tpu.memory_space<vmem_shared>> -> memref<128x128xf32, #tpu.memory_space<vmem_shared>>
        %dma_wait3A_164 = arith.constant 0 : i32
        %dma_wait3A_165 = tpu.memref_slice %arg10[%add3A_157, %dma_wait3A_164] : memref<10240x128xf32, #tpu.memory_space<vmem_shared>> -> memref<128x128xf32, #tpu.memory_space<vmem_shared>>
        tpu.wait_dma2 semaphore(%run_scoped3A : memref<!tpu.dma_semaphore, #tpu.memory_space<semaphore_mem>>) src(%arg8 : memref<128x128xf32, #tpu.memory_space<vmem>>) dst(%dma_wait3A_165 : memref<128x128xf32, #tpu.memory_space<vmem_shared>>)
        tpu.yield
      }) : () -> ()
    }
    %scan3A_9 = arith.constant 5 : i32
    %barrier3A = arith.constant 0 : index
    tpu.barrier barrier_id(%barrier3A)
    %mul3A_10 = arith.constant 80 : i32
    %mul3A_11 = arith.muli %add3A, %mul3A_10 : i32
    %add3A_12 = arith.constant 0 : i32
    %add3A_13 = arith.addi %mul3A_11, %add3A_12 : i32
    "tpu.region"() ({
      %run_scoped3A = tpu.sem_alloc : memref<!tpu.dma_semaphore, #tpu.memory_space<semaphore_mem>>
      %dma_start3A_148 = arith.constant 0 : i32
      %dma_start3A_149 = tpu.memref_slice %arg3[%add3A_13, %dma_start3A_148] : memref<2560x128xi32, #tpu.memory_space<hbm>> -> memref<40x128xi32, #tpu.memory_space<hbm>>
      %dma_start3A_150 = arith.constant 0 : i32
      %dma_start3A_151 = tpu.memref_slice %arg3[%add3A_13, %dma_start3A_150] : memref<2560x128xi32, #tpu.memory_space<hbm>> -> memref<40x128xi32, #tpu.memory_space<hbm>>
      tpu.enqueue_dma source(%dma_start3A_151 : memref<40x128xi32, #tpu.memory_space<hbm>>) target(%arg6 : memref<40x128xi32, #tpu.memory_space<vmem>>) target_semaphore(%run_scoped3A : memref<!tpu.dma_semaphore, #tpu.memory_space<semaphore_mem>>)
      %dma_wait3A_152 = arith.constant 0 : i32
      %dma_wait3A_153 = tpu.memref_slice %arg3[%add3A_13, %dma_wait3A_152] : memref<2560x128xi32, #tpu.memory_space<hbm>> -> memref<40x128xi32, #tpu.memory_space<hbm>>
      %dma_wait3A_154 = arith.constant 0 : i32
      %dma_wait3A_155 = tpu.memref_slice %arg3[%add3A_13, %dma_wait3A_154] : memref<2560x128xi32, #tpu.memory_space<hbm>> -> memref<40x128xi32, #tpu.memory_space<hbm>>
      tpu.wait_dma2 semaphore(%run_scoped3A : memref<!tpu.dma_semaphore, #tpu.memory_space<semaphore_mem>>) src(%dma_wait3A_155 : memref<40x128xi32, #tpu.memory_space<hbm>>) dst(%arg6 : memref<40x128xi32, #tpu.memory_space<vmem>>)
      tpu.yield
    }) : () -> ()
    %mul3A_14 = arith.constant 80 : i32
    %mul3A_15 = arith.muli %add3A, %mul3A_14 : i32
    %add3A_16 = arith.constant 0 : i32
    %add3A_17 = arith.addi %mul3A_15, %add3A_16 : i32
    "tpu.region"() ({
      %run_scoped3A = tpu.sem_alloc : memref<!tpu.dma_semaphore, #tpu.memory_space<semaphore_mem>>
      %dma_start3A_148 = arith.constant 0 : i32
      %dma_start3A_149 = tpu.memref_slice %arg4[%add3A_17, %dma_start3A_148] : memref<2560x128xi32, #tpu.memory_space<hbm>> -> memref<40x128xi32, #tpu.memory_space<hbm>>
      %dma_start3A_150 = arith.constant 0 : i32
      %dma_start3A_151 = tpu.memref_slice %arg4[%add3A_17, %dma_start3A_150] : memref<2560x128xi32, #tpu.memory_space<hbm>> -> memref<40x128xi32, #tpu.memory_space<hbm>>
      tpu.enqueue_dma source(%dma_start3A_151 : memref<40x128xi32, #tpu.memory_space<hbm>>) target(%arg7 : memref<40x128xi32, #tpu.memory_space<vmem>>) target_semaphore(%run_scoped3A : memref<!tpu.dma_semaphore, #tpu.memory_space<semaphore_mem>>)
      %dma_wait3A_152 = arith.constant 0 : i32
      %dma_wait3A_153 = tpu.memref_slice %arg4[%add3A_17, %dma_wait3A_152] : memref<2560x128xi32, #tpu.memory_space<hbm>> -> memref<40x128xi32, #tpu.memory_space<hbm>>
      %dma_wait3A_154 = arith.constant 0 : i32
      %dma_wait3A_155 = tpu.memref_slice %arg4[%add3A_17, %dma_wait3A_154] : memref<2560x128xi32, #tpu.memory_space<hbm>> -> memref<40x128xi32, #tpu.memory_space<hbm>>
      tpu.wait_dma2 semaphore(%run_scoped3A : memref<!tpu.dma_semaphore, #tpu.memory_space<semaphore_mem>>) src(%dma_wait3A_155 : memref<40x128xi32, #tpu.memory_space<hbm>>) dst(%arg7 : memref<40x128xi32, #tpu.memory_space<vmem>>)
      tpu.yield
    }) : () -> ()
    %dma_start3A = arith.constant 0 : i32
    %dma_start3A_18 = arith.constant 0 : i32
    %dma_start3A_19 = tpu.memref_slice %arg6[%dma_start3A, %dma_start3A_18] : memref<40x128xi32, #tpu.memory_space<vmem>> -> memref<1x128xi32, #tpu.memory_space<vmem>>
    %dma_start3A_20 = tpu.memref_squeeze %dma_start3A_19 : memref<1x128xi32, #tpu.memory_space<vmem>> -> memref<128xi32, #tpu.memory_space<vmem>>
    %dma_start3A_21 = arith.constant 0 : i32
    %dma_start3A_22 = arith.constant 0 : i32
    %dma_start3A_23 = tpu.memref_slice %arg2[%dma_start3A_21, %dma_start3A_22] : memref<80000x128xf32, #tpu.memory_space<hbm>> -> memref<80000x128xf32, #tpu.memory_space<hbm>>
    tpu.enqueue_indirect_dma source(%dma_start3A_23 : memref<80000x128xf32, #tpu.memory_space<hbm>>) target(%arg8 : memref<128x128xf32, #tpu.memory_space<vmem>>) offsets(%dma_start3A_20 : memref<128xi32, #tpu.memory_space<vmem>>) semaphore(%arg11 : memref<!tpu.dma_semaphore, #tpu.memory_space<semaphore_mem>>)
    %dma_start3A_24 = arith.constant 1 : i32
    %dma_start3A_25 = arith.constant 0 : i32
    %dma_start3A_26 = tpu.memref_slice %arg6[%dma_start3A_24, %dma_start3A_25] : memref<40x128xi32, #tpu.memory_space<vmem>> -> memref<1x128xi32, #tpu.memory_space<vmem>>
    %dma_start3A_27 = tpu.memref_squeeze %dma_start3A_26 : memref<1x128xi32, #tpu.memory_space<vmem>> -> memref<128xi32, #tpu.memory_space<vmem>>
    %dma_start3A_28 = arith.constant 0 : i32
    %dma_start3A_29 = arith.constant 0 : i32
    %dma_start3A_30 = tpu.memref_slice %arg2[%dma_start3A_28, %dma_start3A_29] : memref<80000x128xf32, #tpu.memory_space<hbm>> -> memref<80000x128xf32, #tpu.memory_space<hbm>>
    tpu.enqueue_indirect_dma source(%dma_start3A_30 : memref<80000x128xf32, #tpu.memory_space<hbm>>) target(%arg9 : memref<128x128xf32, #tpu.memory_space<vmem>>) offsets(%dma_start3A_27 : memref<128xi32, #tpu.memory_space<vmem>>) semaphore(%arg12 : memref<!tpu.dma_semaphore, #tpu.memory_space<semaphore_mem>>)
    %scan3A_31 = arith.constant 0 : i32
    %scan3A_32 = arith.constant 20 : i32
    %scan3A_33 = arith.addi %scan3A_31, %scan3A_32 : i32
    %scan3A_34 = arith.constant 1 : i32
    scf.for %scan3A_148 = %scan3A_31 to %scan3A_33 step %scan3A_34  : i32 {
      %mul3A_149 = arith.constant 1 : i32
      %mul3A_150 = arith.muli %scan3A_148, %mul3A_149 : i32
      %add3A_151 = arith.constant 0 : i32
      %add3A_152 = arith.addi %add3A_151, %mul3A_150 : i32
      %mul3A_153 = arith.constant 2 : i32
      %mul3A_154 = arith.muli %add3A_152, %mul3A_153 : i32
      %dma_wait3A_155 = arith.constant 0 : i32
      %dma_wait3A_156 = arith.constant 0 : i32
      %dma_wait3A_157 = tpu.memref_slice %arg2[%dma_wait3A_155, %dma_wait3A_156] : memref<80000x128xf32, #tpu.memory_space<hbm>> -> memref<128x128xf32, #tpu.memory_space<hbm>>
      %dma_wait3A_158 = arith.constant 0 : i32
      %dma_wait3A_159 = arith.constant 0 : i32
      %dma_wait3A_160 = tpu.memref_slice %arg2[%dma_wait3A_158, %dma_wait3A_159] : memref<80000x128xf32, #tpu.memory_space<hbm>> -> memref<128x128xf32, #tpu.memory_space<hbm>>
      tpu.wait_dma2 semaphore(%arg11 : memref<!tpu.dma_semaphore, #tpu.memory_space<semaphore_mem>>) src(%dma_wait3A_160 : memref<128x128xf32, #tpu.memory_space<hbm>>) dst(%arg8 : memref<128x128xf32, #tpu.memory_space<vmem>>)
      %add3A_161 = arith.constant 0 : i32
      %add3A_162 = arith.addi %mul3A_154, %add3A_161 : i32
      "tpu.region"() ({
        %run_scoped3A = tpu.sem_alloc : memref<!tpu.dma_semaphore, #tpu.memory_space<semaphore_mem>>
        %dma_start3A_186 = arith.constant 0 : i32
        %dma_start3A_187 = tpu.memref_slice %arg7[%add3A_162, %dma_start3A_186] : memref<40x128xi32, #tpu.memory_space<vmem>> -> memref<1x128xi32, #tpu.memory_space<vmem>>
        %dma_start3A_188 = tpu.memref_squeeze %dma_start3A_187 : memref<1x128xi32, #tpu.memory_space<vmem>> -> memref<128xi32, #tpu.memory_space<vmem>>
        %dma_start3A_189 = arith.constant 0 : i32
        %dma_start3A_190 = arith.constant 0 : i32
        %dma_start3A_191 = tpu.memref_slice %arg10[%dma_start3A_189, %dma_start3A_190] : memref<10240x128xf32, #tpu.memory_space<vmem_shared>> -> memref<10240x128xf32, #tpu.memory_space<vmem_shared>>
        tpu.enqueue_indirect_dma source(%arg8 : memref<128x128xf32, #tpu.memory_space<vmem>>) target(%dma_start3A_191 : memref<10240x128xf32, #tpu.memory_space<vmem_shared>>) offsets(%dma_start3A_188 : memref<128xi32, #tpu.memory_space<vmem>>) semaphore(%run_scoped3A : memref<!tpu.dma_semaphore, #tpu.memory_space<semaphore_mem>>) {add = true}
        %dma_wait3A_192 = arith.constant 0 : i32
        %dma_wait3A_193 = tpu.memref_slice %arg7[%add3A_162, %dma_wait3A_192] : memref<40x128xi32, #tpu.memory_space<vmem>> -> memref<1x128xi32, #tpu.memory_space<vmem>>
        %dma_wait3A_194 = tpu.memref_squeeze %dma_wait3A_193 : memref<1x128xi32, #tpu.memory_space<vmem>> -> memref<128xi32, #tpu.memory_space<vmem>>
        %dma_wait3A_195 = arith.constant 0 : i32
        %dma_wait3A_196 = arith.constant 0 : i32
        %dma_wait3A_197 = tpu.memref_slice %arg10[%dma_wait3A_195, %dma_wait3A_196] : memref<10240x128xf32, #tpu.memory_space<vmem_shared>> -> memref<10240x128xf32, #tpu.memory_space<vmem_shared>>
        tpu.wait_indirect_dma semaphore(%run_scoped3A : memref<!tpu.dma_semaphore, #tpu.memory_space<semaphore_mem>>) src(%arg8 : memref<128x128xf32, #tpu.memory_space<vmem>>) dst(%dma_wait3A_197 : memref<10240x128xf32, #tpu.memory_space<vmem_shared>>)
        tpu.yield
      }) : () -> ()
      %add3A_163 = arith.constant 2 : i32
      %add3A_164 = arith.addi %mul3A_154, %add3A_163 : i32
      %add3A_165 = arith.constant 0 : i32
      %add3A_166 = arith.addi %add3A_164, %add3A_165 : i32
      %lt3A = arith.constant 40 : i32
      %lt3A_167 = arith.cmpi slt, %add3A_166, %lt3A : i32
      %convert_element_type3A = arith.extui %lt3A_167 : i1 to i32
      %cond3A = arith.constant 0 : i32
      %cond3A_168 = arith.cmpi ne, %convert_element_type3A, %cond3A : i32
      scf.if %cond3A_168 {
        %dma_start3A_186 = arith.constant 0 : i32
        %dma_start3A_187 = tpu.memref_slice %arg6[%add3A_166, %dma_start3A_186] : memref<40x128xi32, #tpu.memory_space<vmem>> -> memref<1x128xi32, #tpu.memory_space<vmem>>
        %dma_start3A_188 = tpu.memref_squeeze %dma_start3A_187 : memref<1x128xi32, #tpu.memory_space<vmem>> -> memref<128xi32, #tpu.memory_space<vmem>>
        %dma_start3A_189 = arith.constant 0 : i32
        %dma_start3A_190 = arith.constant 0 : i32
        %dma_start3A_191 = tpu.memref_slice %arg2[%dma_start3A_189, %dma_start3A_190] : memref<80000x128xf32, #tpu.memory_space<hbm>> -> memref<80000x128xf32, #tpu.memory_space<hbm>>
        tpu.enqueue_indirect_dma source(%dma_start3A_191 : memref<80000x128xf32, #tpu.memory_space<hbm>>) target(%arg8 : memref<128x128xf32, #tpu.memory_space<vmem>>) offsets(%dma_start3A_188 : memref<128xi32, #tpu.memory_space<vmem>>) semaphore(%arg11 : memref<!tpu.dma_semaphore, #tpu.memory_space<semaphore_mem>>)
      } else {
      }
      %dma_wait3A_169 = arith.constant 0 : i32
      %dma_wait3A_170 = arith.constant 0 : i32
      %dma_wait3A_171 = tpu.memref_slice %arg2[%dma_wait3A_169, %dma_wait3A_170] : memref<80000x128xf32, #tpu.memory_space<hbm>> -> memref<128x128xf32, #tpu.memory_space<hbm>>
      %dma_wait3A_172 = arith.constant 0 : i32
      %dma_wait3A_173 = arith.constant 0 : i32
      %dma_wait3A_174 = tpu.memref_slice %arg2[%dma_wait3A_172, %dma_wait3A_173] : memref<80000x128xf32, #tpu.memory_space<hbm>> -> memref<128x128xf32, #tpu.memory_space<hbm>>
      tpu.wait_dma2 semaphore(%arg12 : memref<!tpu.dma_semaphore, #tpu.memory_space<semaphore_mem>>) src(%dma_wait3A_174 : memref<128x128xf32, #tpu.memory_space<hbm>>) dst(%arg9 : memref<128x128xf32, #tpu.memory_space<vmem>>)
      %add3A_175 = arith.constant 1 : i32
      %add3A_176 = arith.addi %mul3A_154, %add3A_175 : i32
      "tpu.region"() ({
        %run_scoped3A = tpu.sem_alloc : memref<!tpu.dma_semaphore, #tpu.memory_space<semaphore_mem>>
        %dma_start3A_186 = arith.constant 0 : i32
        %dma_start3A_187 = tpu.memref_slice %arg7[%add3A_176, %dma_start3A_186] : memref<40x128xi32, #tpu.memory_space<vmem>> -> memref<1x128xi32, #tpu.memory_space<vmem>>
        %dma_start3A_188 = tpu.memref_squeeze %dma_start3A_187 : memref<1x128xi32, #tpu.memory_space<vmem>> -> memref<128xi32, #tpu.memory_space<vmem>>
        %dma_start3A_189 = arith.constant 0 : i32
        %dma_start3A_190 = arith.constant 0 : i32
        %dma_start3A_191 = tpu.memref_slice %arg10[%dma_start3A_189, %dma_start3A_190] : memref<10240x128xf32, #tpu.memory_space<vmem_shared>> -> memref<10240x128xf32, #tpu.memory_space<vmem_shared>>
        tpu.enqueue_indirect_dma source(%arg9 : memref<128x128xf32, #tpu.memory_space<vmem>>) target(%dma_start3A_191 : memref<10240x128xf32, #tpu.memory_space<vmem_shared>>) offsets(%dma_start3A_188 : memref<128xi32, #tpu.memory_space<vmem>>) semaphore(%run_scoped3A : memref<!tpu.dma_semaphore, #tpu.memory_space<semaphore_mem>>) {add = true}
        %dma_wait3A_192 = arith.constant 0 : i32
        %dma_wait3A_193 = tpu.memref_slice %arg7[%add3A_176, %dma_wait3A_192] : memref<40x128xi32, #tpu.memory_space<vmem>> -> memref<1x128xi32, #tpu.memory_space<vmem>>
        %dma_wait3A_194 = tpu.memref_squeeze %dma_wait3A_193 : memref<1x128xi32, #tpu.memory_space<vmem>> -> memref<128xi32, #tpu.memory_space<vmem>>
        %dma_wait3A_195 = arith.constant 0 : i32
        %dma_wait3A_196 = arith.constant 0 : i32
        %dma_wait3A_197 = tpu.memref_slice %arg10[%dma_wait3A_195, %dma_wait3A_196] : memref<10240x128xf32, #tpu.memory_space<vmem_shared>> -> memref<10240x128xf32, #tpu.memory_space<vmem_shared>>
        tpu.wait_indirect_dma semaphore(%run_scoped3A : memref<!tpu.dma_semaphore, #tpu.memory_space<semaphore_mem>>) src(%arg9 : memref<128x128xf32, #tpu.memory_space<vmem>>) dst(%dma_wait3A_197 : memref<10240x128xf32, #tpu.memory_space<vmem_shared>>)
        tpu.yield
      }) : () -> ()
      %add3A_177 = arith.constant 2 : i32
      %add3A_178 = arith.addi %mul3A_154, %add3A_177 : i32
      %add3A_179 = arith.constant 1 : i32
      %add3A_180 = arith.addi %add3A_178, %add3A_179 : i32
      %lt3A_181 = arith.constant 40 : i32
      %lt3A_182 = arith.cmpi slt, %add3A_180, %lt3A_181 : i32
      %convert_element_type3A_183 = arith.extui %lt3A_182 : i1 to i32
      %cond3A_184 = arith.constant 0 : i32
      %cond3A_185 = arith.cmpi ne, %convert_element_type3A_183, %cond3A_184 : i32
      scf.if %cond3A_185 {
        %dma_start3A_186 = arith.constant 0 : i32
        %dma_start3A_187 = tpu.memref_slice %arg6[%add3A_180, %dma_start3A_186] : memref<40x128xi32, #tpu.memory_space<vmem>> -> memref<1x128xi32, #tpu.memory_space<vmem>>
        %dma_start3A_188 = tpu.memref_squeeze %dma_start3A_187 : memref<1x128xi32, #tpu.memory_space<vmem>> -> memref<128xi32, #tpu.memory_space<vmem>>
        %dma_start3A_189 = arith.constant 0 : i32
        %dma_start3A_190 = arith.constant 0 : i32
        %dma_start3A_191 = tpu.memref_slice %arg2[%dma_start3A_189, %dma_start3A_190] : memref<80000x128xf32, #tpu.memory_space<hbm>> -> memref<80000x128xf32, #tpu.memory_space<hbm>>
        tpu.enqueue_indirect_dma source(%dma_start3A_191 : memref<80000x128xf32, #tpu.memory_space<hbm>>) target(%arg9 : memref<128x128xf32, #tpu.memory_space<vmem>>) offsets(%dma_start3A_188 : memref<128xi32, #tpu.memory_space<vmem>>) semaphore(%arg12 : memref<!tpu.dma_semaphore, #tpu.memory_space<semaphore_mem>>)
      } else {
      }
    }
    %scan3A_35 = arith.constant 20 : i32
    %mul3A_36 = arith.constant 80 : i32
    %mul3A_37 = arith.muli %add3A, %mul3A_36 : i32
    %add3A_38 = arith.constant 40 : i32
    %add3A_39 = arith.addi %mul3A_37, %add3A_38 : i32
    "tpu.region"() ({
      %run_scoped3A = tpu.sem_alloc : memref<!tpu.dma_semaphore, #tpu.memory_space<semaphore_mem>>
      %dma_start3A_148 = arith.constant 0 : i32
      %dma_start3A_149 = tpu.memref_slice %arg3[%add3A_39, %dma_start3A_148] : memref<2560x128xi32, #tpu.memory_space<hbm>> -> memref<40x128xi32, #tpu.memory_space<hbm>>
      %dma_start3A_150 = arith.constant 0 : i32
      %dma_start3A_151 = tpu.memref_slice %arg3[%add3A_39, %dma_start3A_150] : memref<2560x128xi32, #tpu.memory_space<hbm>> -> memref<40x128xi32, #tpu.memory_space<hbm>>
      tpu.enqueue_dma source(%dma_start3A_151 : memref<40x128xi32, #tpu.memory_space<hbm>>) target(%arg6 : memref<40x128xi32, #tpu.memory_space<vmem>>) target_semaphore(%run_scoped3A : memref<!tpu.dma_semaphore, #tpu.memory_space<semaphore_mem>>)
      %dma_wait3A_152 = arith.constant 0 : i32
      %dma_wait3A_153 = tpu.memref_slice %arg3[%add3A_39, %dma_wait3A_152] : memref<2560x128xi32, #tpu.memory_space<hbm>> -> memref<40x128xi32, #tpu.memory_space<hbm>>
      %dma_wait3A_154 = arith.constant 0 : i32
      %dma_wait3A_155 = tpu.memref_slice %arg3[%add3A_39, %dma_wait3A_154] : memref<2560x128xi32, #tpu.memory_space<hbm>> -> memref<40x128xi32, #tpu.memory_space<hbm>>
      tpu.wait_dma2 semaphore(%run_scoped3A : memref<!tpu.dma_semaphore, #tpu.memory_space<semaphore_mem>>) src(%dma_wait3A_155 : memref<40x128xi32, #tpu.memory_space<hbm>>) dst(%arg6 : memref<40x128xi32, #tpu.memory_space<vmem>>)
      tpu.yield
    }) : () -> ()
    %mul3A_40 = arith.constant 80 : i32
    %mul3A_41 = arith.muli %add3A, %mul3A_40 : i32
    %add3A_42 = arith.constant 40 : i32
    %add3A_43 = arith.addi %mul3A_41, %add3A_42 : i32
    "tpu.region"() ({
      %run_scoped3A = tpu.sem_alloc : memref<!tpu.dma_semaphore, #tpu.memory_space<semaphore_mem>>
      %dma_start3A_148 = arith.constant 0 : i32
      %dma_start3A_149 = tpu.memref_slice %arg4[%add3A_43, %dma_start3A_148] : memref<2560x128xi32, #tpu.memory_space<hbm>> -> memref<40x128xi32, #tpu.memory_space<hbm>>
      %dma_start3A_150 = arith.constant 0 : i32
      %dma_start3A_151 = tpu.memref_slice %arg4[%add3A_43, %dma_start3A_150] : memref<2560x128xi32, #tpu.memory_space<hbm>> -> memref<40x128xi32, #tpu.memory_space<hbm>>
      tpu.enqueue_dma source(%dma_start3A_151 : memref<40x128xi32, #tpu.memory_space<hbm>>) target(%arg7 : memref<40x128xi32, #tpu.memory_space<vmem>>) target_semaphore(%run_scoped3A : memref<!tpu.dma_semaphore, #tpu.memory_space<semaphore_mem>>)
      %dma_wait3A_152 = arith.constant 0 : i32
      %dma_wait3A_153 = tpu.memref_slice %arg4[%add3A_43, %dma_wait3A_152] : memref<2560x128xi32, #tpu.memory_space<hbm>> -> memref<40x128xi32, #tpu.memory_space<hbm>>
      %dma_wait3A_154 = arith.constant 0 : i32
      %dma_wait3A_155 = tpu.memref_slice %arg4[%add3A_43, %dma_wait3A_154] : memref<2560x128xi32, #tpu.memory_space<hbm>> -> memref<40x128xi32, #tpu.memory_space<hbm>>
      tpu.wait_dma2 semaphore(%run_scoped3A : memref<!tpu.dma_semaphore, #tpu.memory_space<semaphore_mem>>) src(%dma_wait3A_155 : memref<40x128xi32, #tpu.memory_space<hbm>>) dst(%arg7 : memref<40x128xi32, #tpu.memory_space<vmem>>)
      tpu.yield
    }) : () -> ()
    %dma_start3A_44 = arith.constant 0 : i32
    %dma_start3A_45 = arith.constant 0 : i32
    %dma_start3A_46 = tpu.memref_slice %arg6[%dma_start3A_44, %dma_start3A_45] : memref<40x128xi32, #tpu.memory_space<vmem>> -> memref<1x128xi32, #tpu.memory_space<vmem>>
    %dma_start3A_47 = tpu.memref_squeeze %dma_start3A_46 : memref<1x128xi32, #tpu.memory_space<vmem>> -> memref<128xi32, #tpu.memory_space<vmem>>
    %dma_start3A_48 = arith.constant 0 : i32
    %dma_start3A_49 = arith.constant 0 : i32
    %dma_start3A_50 = tpu.memref_slice %arg2[%dma_start3A_48, %dma_start3A_49] : memref<80000x128xf32, #tpu.memory_space<hbm>> -> memref<80000x128xf32, #tpu.memory_space<hbm>>
    tpu.enqueue_indirect_dma source(%dma_start3A_50 : memref<80000x128xf32, #tpu.memory_space<hbm>>) target(%arg8 : memref<128x128xf32, #tpu.memory_space<vmem>>) offsets(%dma_start3A_47 : memref<128xi32, #tpu.memory_space<vmem>>) semaphore(%arg11 : memref<!tpu.dma_semaphore, #tpu.memory_space<semaphore_mem>>)
    %dma_start3A_51 = arith.constant 1 : i32
    %dma_start3A_52 = arith.constant 0 : i32
    %dma_start3A_53 = tpu.memref_slice %arg6[%dma_start3A_51, %dma_start3A_52] : memref<40x128xi32, #tpu.memory_space<vmem>> -> memref<1x128xi32, #tpu.memory_space<vmem>>
    %dma_start3A_54 = tpu.memref_squeeze %dma_start3A_53 : memref<1x128xi32, #tpu.memory_space<vmem>> -> memref<128xi32, #tpu.memory_space<vmem>>
    %dma_start3A_55 = arith.constant 0 : i32
    %dma_start3A_56 = arith.constant 0 : i32
    %dma_start3A_57 = tpu.memref_slice %arg2[%dma_start3A_55, %dma_start3A_56] : memref<80000x128xf32, #tpu.memory_space<hbm>> -> memref<80000x128xf32, #tpu.memory_space<hbm>>
    tpu.enqueue_indirect_dma source(%dma_start3A_57 : memref<80000x128xf32, #tpu.memory_space<hbm>>) target(%arg9 : memref<128x128xf32, #tpu.memory_space<vmem>>) offsets(%dma_start3A_54 : memref<128xi32, #tpu.memory_space<vmem>>) semaphore(%arg12 : memref<!tpu.dma_semaphore, #tpu.memory_space<semaphore_mem>>)
    %scan3A_58 = arith.constant 0 : i32
    %scan3A_59 = arith.constant 20 : i32
    %scan3A_60 = arith.addi %scan3A_58, %scan3A_59 : i32
    %scan3A_61 = arith.constant 1 : i32
    scf.for %scan3A_148 = %scan3A_58 to %scan3A_60 step %scan3A_61  : i32 {
      %mul3A_149 = arith.constant 1 : i32
      %mul3A_150 = arith.muli %scan3A_148, %mul3A_149 : i32
      %add3A_151 = arith.constant 0 : i32
      %add3A_152 = arith.addi %add3A_151, %mul3A_150 : i32
      %mul3A_153 = arith.constant 2 : i32
      %mul3A_154 = arith.muli %add3A_152, %mul3A_153 : i32
      %dma_wait3A_155 = arith.constant 0 : i32
      %dma_wait3A_156 = arith.constant 0 : i32
      %dma_wait3A_157 = tpu.memref_slice %arg2[%dma_wait3A_155, %dma_wait3A_156] : memref<80000x128xf32, #tpu.memory_space<hbm>> -> memref<128x128xf32, #tpu.memory_space<hbm>>
      %dma_wait3A_158 = arith.constant 0 : i32
      %dma_wait3A_159 = arith.constant 0 : i32
      %dma_wait3A_160 = tpu.memref_slice %arg2[%dma_wait3A_158, %dma_wait3A_159] : memref<80000x128xf32, #tpu.memory_space<hbm>> -> memref<128x128xf32, #tpu.memory_space<hbm>>
      tpu.wait_dma2 semaphore(%arg11 : memref<!tpu.dma_semaphore, #tpu.memory_space<semaphore_mem>>) src(%dma_wait3A_160 : memref<128x128xf32, #tpu.memory_space<hbm>>) dst(%arg8 : memref<128x128xf32, #tpu.memory_space<vmem>>)
      %add3A_161 = arith.constant 0 : i32
      %add3A_162 = arith.addi %mul3A_154, %add3A_161 : i32
      "tpu.region"() ({
        %run_scoped3A = tpu.sem_alloc : memref<!tpu.dma_semaphore, #tpu.memory_space<semaphore_mem>>
        %dma_start3A_186 = arith.constant 0 : i32
        %dma_start3A_187 = tpu.memref_slice %arg7[%add3A_162, %dma_start3A_186] : memref<40x128xi32, #tpu.memory_space<vmem>> -> memref<1x128xi32, #tpu.memory_space<vmem>>
        %dma_start3A_188 = tpu.memref_squeeze %dma_start3A_187 : memref<1x128xi32, #tpu.memory_space<vmem>> -> memref<128xi32, #tpu.memory_space<vmem>>
        %dma_start3A_189 = arith.constant 0 : i32
        %dma_start3A_190 = arith.constant 0 : i32
        %dma_start3A_191 = tpu.memref_slice %arg10[%dma_start3A_189, %dma_start3A_190] : memref<10240x128xf32, #tpu.memory_space<vmem_shared>> -> memref<10240x128xf32, #tpu.memory_space<vmem_shared>>
        tpu.enqueue_indirect_dma source(%arg8 : memref<128x128xf32, #tpu.memory_space<vmem>>) target(%dma_start3A_191 : memref<10240x128xf32, #tpu.memory_space<vmem_shared>>) offsets(%dma_start3A_188 : memref<128xi32, #tpu.memory_space<vmem>>) semaphore(%run_scoped3A : memref<!tpu.dma_semaphore, #tpu.memory_space<semaphore_mem>>) {add = true}
        %dma_wait3A_192 = arith.constant 0 : i32
        %dma_wait3A_193 = tpu.memref_slice %arg7[%add3A_162, %dma_wait3A_192] : memref<40x128xi32, #tpu.memory_space<vmem>> -> memref<1x128xi32, #tpu.memory_space<vmem>>
        %dma_wait3A_194 = tpu.memref_squeeze %dma_wait3A_193 : memref<1x128xi32, #tpu.memory_space<vmem>> -> memref<128xi32, #tpu.memory_space<vmem>>
        %dma_wait3A_195 = arith.constant 0 : i32
        %dma_wait3A_196 = arith.constant 0 : i32
        %dma_wait3A_197 = tpu.memref_slice %arg10[%dma_wait3A_195, %dma_wait3A_196] : memref<10240x128xf32, #tpu.memory_space<vmem_shared>> -> memref<10240x128xf32, #tpu.memory_space<vmem_shared>>
        tpu.wait_indirect_dma semaphore(%run_scoped3A : memref<!tpu.dma_semaphore, #tpu.memory_space<semaphore_mem>>) src(%arg8 : memref<128x128xf32, #tpu.memory_space<vmem>>) dst(%dma_wait3A_197 : memref<10240x128xf32, #tpu.memory_space<vmem_shared>>)
        tpu.yield
      }) : () -> ()
      %add3A_163 = arith.constant 2 : i32
      %add3A_164 = arith.addi %mul3A_154, %add3A_163 : i32
      %add3A_165 = arith.constant 0 : i32
      %add3A_166 = arith.addi %add3A_164, %add3A_165 : i32
      %lt3A = arith.constant 40 : i32
      %lt3A_167 = arith.cmpi slt, %add3A_166, %lt3A : i32
      %convert_element_type3A = arith.extui %lt3A_167 : i1 to i32
      %cond3A = arith.constant 0 : i32
      %cond3A_168 = arith.cmpi ne, %convert_element_type3A, %cond3A : i32
      scf.if %cond3A_168 {
        %dma_start3A_186 = arith.constant 0 : i32
        %dma_start3A_187 = tpu.memref_slice %arg6[%add3A_166, %dma_start3A_186] : memref<40x128xi32, #tpu.memory_space<vmem>> -> memref<1x128xi32, #tpu.memory_space<vmem>>
        %dma_start3A_188 = tpu.memref_squeeze %dma_start3A_187 : memref<1x128xi32, #tpu.memory_space<vmem>> -> memref<128xi32, #tpu.memory_space<vmem>>
        %dma_start3A_189 = arith.constant 0 : i32
        %dma_start3A_190 = arith.constant 0 : i32
        %dma_start3A_191 = tpu.memref_slice %arg2[%dma_start3A_189, %dma_start3A_190] : memref<80000x128xf32, #tpu.memory_space<hbm>> -> memref<80000x128xf32, #tpu.memory_space<hbm>>
        tpu.enqueue_indirect_dma source(%dma_start3A_191 : memref<80000x128xf32, #tpu.memory_space<hbm>>) target(%arg8 : memref<128x128xf32, #tpu.memory_space<vmem>>) offsets(%dma_start3A_188 : memref<128xi32, #tpu.memory_space<vmem>>) semaphore(%arg11 : memref<!tpu.dma_semaphore, #tpu.memory_space<semaphore_mem>>)
      } else {
      }
      %dma_wait3A_169 = arith.constant 0 : i32
      %dma_wait3A_170 = arith.constant 0 : i32
      %dma_wait3A_171 = tpu.memref_slice %arg2[%dma_wait3A_169, %dma_wait3A_170] : memref<80000x128xf32, #tpu.memory_space<hbm>> -> memref<128x128xf32, #tpu.memory_space<hbm>>
      %dma_wait3A_172 = arith.constant 0 : i32
      %dma_wait3A_173 = arith.constant 0 : i32
      %dma_wait3A_174 = tpu.memref_slice %arg2[%dma_wait3A_172, %dma_wait3A_173] : memref<80000x128xf32, #tpu.memory_space<hbm>> -> memref<128x128xf32, #tpu.memory_space<hbm>>
      tpu.wait_dma2 semaphore(%arg12 : memref<!tpu.dma_semaphore, #tpu.memory_space<semaphore_mem>>) src(%dma_wait3A_174 : memref<128x128xf32, #tpu.memory_space<hbm>>) dst(%arg9 : memref<128x128xf32, #tpu.memory_space<vmem>>)
      %add3A_175 = arith.constant 1 : i32
      %add3A_176 = arith.addi %mul3A_154, %add3A_175 : i32
      "tpu.region"() ({
        %run_scoped3A = tpu.sem_alloc : memref<!tpu.dma_semaphore, #tpu.memory_space<semaphore_mem>>
        %dma_start3A_186 = arith.constant 0 : i32
        %dma_start3A_187 = tpu.memref_slice %arg7[%add3A_176, %dma_start3A_186] : memref<40x128xi32, #tpu.memory_space<vmem>> -> memref<1x128xi32, #tpu.memory_space<vmem>>
        %dma_start3A_188 = tpu.memref_squeeze %dma_start3A_187 : memref<1x128xi32, #tpu.memory_space<vmem>> -> memref<128xi32, #tpu.memory_space<vmem>>
        %dma_start3A_189 = arith.constant 0 : i32
        %dma_start3A_190 = arith.constant 0 : i32
        %dma_start3A_191 = tpu.memref_slice %arg10[%dma_start3A_189, %dma_start3A_190] : memref<10240x128xf32, #tpu.memory_space<vmem_shared>> -> memref<10240x128xf32, #tpu.memory_space<vmem_shared>>
        tpu.enqueue_indirect_dma source(%arg9 : memref<128x128xf32, #tpu.memory_space<vmem>>) target(%dma_start3A_191 : memref<10240x128xf32, #tpu.memory_space<vmem_shared>>) offsets(%dma_start3A_188 : memref<128xi32, #tpu.memory_space<vmem>>) semaphore(%run_scoped3A : memref<!tpu.dma_semaphore, #tpu.memory_space<semaphore_mem>>) {add = true}
        %dma_wait3A_192 = arith.constant 0 : i32
        %dma_wait3A_193 = tpu.memref_slice %arg7[%add3A_176, %dma_wait3A_192] : memref<40x128xi32, #tpu.memory_space<vmem>> -> memref<1x128xi32, #tpu.memory_space<vmem>>
        %dma_wait3A_194 = tpu.memref_squeeze %dma_wait3A_193 : memref<1x128xi32, #tpu.memory_space<vmem>> -> memref<128xi32, #tpu.memory_space<vmem>>
        %dma_wait3A_195 = arith.constant 0 : i32
        %dma_wait3A_196 = arith.constant 0 : i32
        %dma_wait3A_197 = tpu.memref_slice %arg10[%dma_wait3A_195, %dma_wait3A_196] : memref<10240x128xf32, #tpu.memory_space<vmem_shared>> -> memref<10240x128xf32, #tpu.memory_space<vmem_shared>>
        tpu.wait_indirect_dma semaphore(%run_scoped3A : memref<!tpu.dma_semaphore, #tpu.memory_space<semaphore_mem>>) src(%arg9 : memref<128x128xf32, #tpu.memory_space<vmem>>) dst(%dma_wait3A_197 : memref<10240x128xf32, #tpu.memory_space<vmem_shared>>)
        tpu.yield
      }) : () -> ()
      %add3A_177 = arith.constant 2 : i32
      %add3A_178 = arith.addi %mul3A_154, %add3A_177 : i32
      %add3A_179 = arith.constant 1 : i32
      %add3A_180 = arith.addi %add3A_178, %add3A_179 : i32
      %lt3A_181 = arith.constant 40 : i32
      %lt3A_182 = arith.cmpi slt, %add3A_180, %lt3A_181 : i32
      %convert_element_type3A_183 = arith.extui %lt3A_182 : i1 to i32
      %cond3A_184 = arith.constant 0 : i32
      %cond3A_185 = arith.cmpi ne, %convert_element_type3A_183, %cond3A_184 : i32
      scf.if %cond3A_185 {
        %dma_start3A_186 = arith.constant 0 : i32
        %dma_start3A_187 = tpu.memref_slice %arg6[%add3A_180, %dma_start3A_186] : memref<40x128xi32, #tpu.memory_space<vmem>> -> memref<1x128xi32, #tpu.memory_space<vmem>>
        %dma_start3A_188 = tpu.memref_squeeze %dma_start3A_187 : memref<1x128xi32, #tpu.memory_space<vmem>> -> memref<128xi32, #tpu.memory_space<vmem>>
        %dma_start3A_189 = arith.constant 0 : i32
        %dma_start3A_190 = arith.constant 0 : i32
        %dma_start3A_191 = tpu.memref_slice %arg2[%dma_start3A_189, %dma_start3A_190] : memref<80000x128xf32, #tpu.memory_space<hbm>> -> memref<80000x128xf32, #tpu.memory_space<hbm>>
        tpu.enqueue_indirect_dma source(%dma_start3A_191 : memref<80000x128xf32, #tpu.memory_space<hbm>>) target(%arg9 : memref<128x128xf32, #tpu.memory_space<vmem>>) offsets(%dma_start3A_188 : memref<128xi32, #tpu.memory_space<vmem>>) semaphore(%arg12 : memref<!tpu.dma_semaphore, #tpu.memory_space<semaphore_mem>>)
      } else {
      }
    }
    %scan3A_62 = arith.constant 20 : i32
    %barrier3A_63 = arith.constant 0 : index
    tpu.barrier barrier_id(%barrier3A_63)
    %mul3A_64 = arith.constant 640 : i32
    %mul3A_65 = arith.muli %arg1, %mul3A_64 : i32
    %add3A_66 = arith.constant 0 : i32
    %add3A_67 = arith.addi %mul3A_65, %add3A_66 : i32
    %mul3A_68 = arith.constant 10240 : i32
    %mul3A_69 = arith.muli %arg0, %mul3A_68 : i32
    %add3A_70 = arith.addi %mul3A_69, %add3A_67 : i32
    %dma_start3A_71 = arith.constant 0 : i32
    %dma_start3A_72 = tpu.memref_slice %arg5[%add3A_70, %dma_start3A_71] : memref<20480x128xf32, #tpu.memory_space<hbm>> -> memref<128x128xf32, #tpu.memory_space<hbm>>
    %dma_start3A_73 = arith.constant 0 : i32
    %dma_start3A_74 = tpu.memref_slice %arg10[%add3A_67, %dma_start3A_73] : memref<10240x128xf32, #tpu.memory_space<vmem_shared>> -> memref<128x128xf32, #tpu.memory_space<vmem_shared>>
    tpu.enqueue_dma source(%dma_start3A_74 : memref<128x128xf32, #tpu.memory_space<vmem_shared>>) target(%dma_start3A_72 : memref<128x128xf32, #tpu.memory_space<hbm>>) target_semaphore(%arg11 : memref<!tpu.dma_semaphore, #tpu.memory_space<semaphore_mem>>)
    %mul3A_75 = arith.constant 640 : i32
    %mul3A_76 = arith.muli %arg1, %mul3A_75 : i32
    %add3A_77 = arith.constant 128 : i32
    %add3A_78 = arith.addi %mul3A_76, %add3A_77 : i32
    %mul3A_79 = arith.constant 10240 : i32
    %mul3A_80 = arith.muli %arg0, %mul3A_79 : i32
    %add3A_81 = arith.addi %mul3A_80, %add3A_78 : i32
    %dma_start3A_82 = arith.constant 0 : i32
    %dma_start3A_83 = tpu.memref_slice %arg5[%add3A_81, %dma_start3A_82] : memref<20480x128xf32, #tpu.memory_space<hbm>> -> memref<128x128xf32, #tpu.memory_space<hbm>>
    %dma_start3A_84 = arith.constant 0 : i32
    %dma_start3A_85 = tpu.memref_slice %arg10[%add3A_78, %dma_start3A_84] : memref<10240x128xf32, #tpu.memory_space<vmem_shared>> -> memref<128x128xf32, #tpu.memory_space<vmem_shared>>
    tpu.enqueue_dma source(%dma_start3A_85 : memref<128x128xf32, #tpu.memory_space<vmem_shared>>) target(%dma_start3A_83 : memref<128x128xf32, #tpu.memory_space<hbm>>) target_semaphore(%arg11 : memref<!tpu.dma_semaphore, #tpu.memory_space<semaphore_mem>>)
    %mul3A_86 = arith.constant 640 : i32
    %mul3A_87 = arith.muli %arg1, %mul3A_86 : i32
    %add3A_88 = arith.constant 256 : i32
    %add3A_89 = arith.addi %mul3A_87, %add3A_88 : i32
    %mul3A_90 = arith.constant 10240 : i32
    %mul3A_91 = arith.muli %arg0, %mul3A_90 : i32
    %add3A_92 = arith.addi %mul3A_91, %add3A_89 : i32
    %dma_start3A_93 = arith.constant 0 : i32
    %dma_start3A_94 = tpu.memref_slice %arg5[%add3A_92, %dma_start3A_93] : memref<20480x128xf32, #tpu.memory_space<hbm>> -> memref<128x128xf32, #tpu.memory_space<hbm>>
    %dma_start3A_95 = arith.constant 0 : i32
    %dma_start3A_96 = tpu.memref_slice %arg10[%add3A_89, %dma_start3A_95] : memref<10240x128xf32, #tpu.memory_space<vmem_shared>> -> memref<128x128xf32, #tpu.memory_space<vmem_shared>>
    tpu.enqueue_dma source(%dma_start3A_96 : memref<128x128xf32, #tpu.memory_space<vmem_shared>>) target(%dma_start3A_94 : memref<128x128xf32, #tpu.memory_space<hbm>>) target_semaphore(%arg11 : memref<!tpu.dma_semaphore, #tpu.memory_space<semaphore_mem>>)
    %mul3A_97 = arith.constant 640 : i32
    %mul3A_98 = arith.muli %arg1, %mul3A_97 : i32
    %add3A_99 = arith.constant 384 : i32
    %add3A_100 = arith.addi %mul3A_98, %add3A_99 : i32
    %mul3A_101 = arith.constant 10240 : i32
    %mul3A_102 = arith.muli %arg0, %mul3A_101 : i32
    %add3A_103 = arith.addi %mul3A_102, %add3A_100 : i32
    %dma_start3A_104 = arith.constant 0 : i32
    %dma_start3A_105 = tpu.memref_slice %arg5[%add3A_103, %dma_start3A_104] : memref<20480x128xf32, #tpu.memory_space<hbm>> -> memref<128x128xf32, #tpu.memory_space<hbm>>
    %dma_start3A_106 = arith.constant 0 : i32
    %dma_start3A_107 = tpu.memref_slice %arg10[%add3A_100, %dma_start3A_106] : memref<10240x128xf32, #tpu.memory_space<vmem_shared>> -> memref<128x128xf32, #tpu.memory_space<vmem_shared>>
    tpu.enqueue_dma source(%dma_start3A_107 : memref<128x128xf32, #tpu.memory_space<vmem_shared>>) target(%dma_start3A_105 : memref<128x128xf32, #tpu.memory_space<hbm>>) target_semaphore(%arg11 : memref<!tpu.dma_semaphore, #tpu.memory_space<semaphore_mem>>)
    %mul3A_108 = arith.constant 640 : i32
    %mul3A_109 = arith.muli %arg1, %mul3A_108 : i32
    %add3A_110 = arith.constant 512 : i32
    %add3A_111 = arith.addi %mul3A_109, %add3A_110 : i32
    %mul3A_112 = arith.constant 10240 : i32
    %mul3A_113 = arith.muli %arg0, %mul3A_112 : i32
    %add3A_114 = arith.addi %mul3A_113, %add3A_111 : i32
    %dma_start3A_115 = arith.constant 0 : i32
    %dma_start3A_116 = tpu.memref_slice %arg5[%add3A_114, %dma_start3A_115] : memref<20480x128xf32, #tpu.memory_space<hbm>> -> memref<128x128xf32, #tpu.memory_space<hbm>>
    %dma_start3A_117 = arith.constant 0 : i32
    %dma_start3A_118 = tpu.memref_slice %arg10[%add3A_111, %dma_start3A_117] : memref<10240x128xf32, #tpu.memory_space<vmem_shared>> -> memref<128x128xf32, #tpu.memory_space<vmem_shared>>
    tpu.enqueue_dma source(%dma_start3A_118 : memref<128x128xf32, #tpu.memory_space<vmem_shared>>) target(%dma_start3A_116 : memref<128x128xf32, #tpu.memory_space<hbm>>) target_semaphore(%arg11 : memref<!tpu.dma_semaphore, #tpu.memory_space<semaphore_mem>>)
    %dma_wait3A = arith.constant 0 : i32
    %dma_wait3A_119 = arith.constant 0 : i32
    %dma_wait3A_120 = tpu.memref_slice %arg5[%dma_wait3A, %dma_wait3A_119] : memref<20480x128xf32, #tpu.memory_space<hbm>> -> memref<128x128xf32, #tpu.memory_space<hbm>>
    %dma_wait3A_121 = arith.constant 0 : i32
    %dma_wait3A_122 = arith.constant 0 : i32
    %dma_wait3A_123 = tpu.memref_slice %arg10[%dma_wait3A_121, %dma_wait3A_122] : memref<10240x128xf32, #tpu.memory_space<vmem_shared>> -> memref<128x128xf32, #tpu.memory_space<vmem_shared>>
    tpu.wait_dma2 semaphore(%arg11 : memref<!tpu.dma_semaphore, #tpu.memory_space<semaphore_mem>>) src(%dma_wait3A_123 : memref<128x128xf32, #tpu.memory_space<vmem_shared>>) dst(%dma_wait3A_120 : memref<128x128xf32, #tpu.memory_space<hbm>>)
    %dma_wait3A_124 = arith.constant 0 : i32
    %dma_wait3A_125 = arith.constant 0 : i32
    %dma_wait3A_126 = tpu.memref_slice %arg5[%dma_wait3A_124, %dma_wait3A_125] : memref<20480x128xf32, #tpu.memory_space<hbm>> -> memref<128x128xf32, #tpu.memory_space<hbm>>
    %dma_wait3A_127 = arith.constant 0 : i32
    %dma_wait3A_128 = arith.constant 0 : i32
    %dma_wait3A_129 = tpu.memref_slice %arg10[%dma_wait3A_127, %dma_wait3A_128] : memref<10240x128xf32, #tpu.memory_space<vmem_shared>> -> memref<128x128xf32, #tpu.memory_space<vmem_shared>>
    tpu.wait_dma2 semaphore(%arg11 : memref<!tpu.dma_semaphore, #tpu.memory_space<semaphore_mem>>) src(%dma_wait3A_129 : memref<128x128xf32, #tpu.memory_space<vmem_shared>>) dst(%dma_wait3A_126 : memref<128x128xf32, #tpu.memory_space<hbm>>)
    %dma_wait3A_130 = arith.constant 0 : i32
    %dma_wait3A_131 = arith.constant 0 : i32
    %dma_wait3A_132 = tpu.memref_slice %arg5[%dma_wait3A_130, %dma_wait3A_131] : memref<20480x128xf32, #tpu.memory_space<hbm>> -> memref<128x128xf32, #tpu.memory_space<hbm>>
    %dma_wait3A_133 = arith.constant 0 : i32
    %dma_wait3A_134 = arith.constant 0 : i32
    %dma_wait3A_135 = tpu.memref_slice %arg10[%dma_wait3A_133, %dma_wait3A_134] : memref<10240x128xf32, #tpu.memory_space<vmem_shared>> -> memref<128x128xf32, #tpu.memory_space<vmem_shared>>
    tpu.wait_dma2 semaphore(%arg11 : memref<!tpu.dma_semaphore, #tpu.memory_space<semaphore_mem>>) src(%dma_wait3A_135 : memref<128x128xf32, #tpu.memory_space<vmem_shared>>) dst(%dma_wait3A_132 : memref<128x128xf32, #tpu.memory_space<hbm>>)
    %dma_wait3A_136 = arith.constant 0 : i32
    %dma_wait3A_137 = arith.constant 0 : i32
    %dma_wait3A_138 = tpu.memref_slice %arg5[%dma_wait3A_136, %dma_wait3A_137] : memref<20480x128xf32, #tpu.memory_space<hbm>> -> memref<128x128xf32, #tpu.memory_space<hbm>>
    %dma_wait3A_139 = arith.constant 0 : i32
    %dma_wait3A_140 = arith.constant 0 : i32
    %dma_wait3A_141 = tpu.memref_slice %arg10[%dma_wait3A_139, %dma_wait3A_140] : memref<10240x128xf32, #tpu.memory_space<vmem_shared>> -> memref<128x128xf32, #tpu.memory_space<vmem_shared>>
    tpu.wait_dma2 semaphore(%arg11 : memref<!tpu.dma_semaphore, #tpu.memory_space<semaphore_mem>>) src(%dma_wait3A_141 : memref<128x128xf32, #tpu.memory_space<vmem_shared>>) dst(%dma_wait3A_138 : memref<128x128xf32, #tpu.memory_space<hbm>>)
    %dma_wait3A_142 = arith.constant 0 : i32
    %dma_wait3A_143 = arith.constant 0 : i32
    %dma_wait3A_144 = tpu.memref_slice %arg5[%dma_wait3A_142, %dma_wait3A_143] : memref<20480x128xf32, #tpu.memory_space<hbm>> -> memref<128x128xf32, #tpu.memory_space<hbm>>
    %dma_wait3A_145 = arith.constant 0 : i32
    %dma_wait3A_146 = arith.constant 0 : i32
    %dma_wait3A_147 = tpu.memref_slice %arg10[%dma_wait3A_145, %dma_wait3A_146] : memref<10240x128xf32, #tpu.memory_space<vmem_shared>> -> memref<128x128xf32, #tpu.memory_space<vmem_shared>>
    tpu.wait_dma2 semaphore(%arg11 : memref<!tpu.dma_semaphore, #tpu.memory_space<semaphore_mem>>) src(%dma_wait3A_147 : memref<128x128xf32, #tpu.memory_space<vmem_shared>>) dst(%dma_wait3A_144 : memref<128x128xf32, #tpu.memory_space<hbm>>)
    return
  }
}

module attributes {stable_mosaic.version = 14 : i64} {
  func.func @_prep_body(%arg0: i32, %arg1: memref<2x128x128xi32, #tpu.memory_space<vmem>>, %arg2: memref<128x128xi32, #tpu.memory_space<vmem>>, %arg3: memref<128x128xi32, #tpu.memory_space<vmem>>, %arg4: memref<128x128xi32, #tpu.memory_space<vmem>>) attributes {dimension_semantics = [#tpu.dimension_semantics<arbitrary>], iteration_bounds = array<i64: 20>, scalar_prefetch = 0 : i64, scratch_operands = 0 : i64, tpu.core_type = #tpu.core_type<tc>, window_params = [{transform_indices = @transform_0, window_bounds = array<i64: 2, 128, 128>}, {transform_indices = @transform_1, window_bounds = array<i64: 128, 128>}, {transform_indices = @transform_2, window_bounds = array<i64: 128, 128>}, {transform_indices = @transform_3, window_bounds = array<i64: 128, 128>}]} {
    %mul3A = arith.constant 128 : i32
    %mul3A_0 = arith.muli %arg0, %mul3A : i32
    %iota3A = tpu.iota {dimensions = array<i32: 0>} : vector<128x128xi32>
    %add3A = vector.broadcast %mul3A_0 : i32 to vector<128x128xi32>
    %add3A_1 = arith.addi %add3A, %iota3A : vector<128x128xi32>
    %iota3A_2 = tpu.iota {dimensions = array<i32: 1>} : vector<128x128xi32>
    %mul3A_3 = arith.constant 128 : i32
    %mul3A_4 = vector.broadcast %mul3A_3 : i32 to vector<128x128xi32>
    %mul3A_5 = arith.muli %add3A_1, %mul3A_4 : vector<128x128xi32>
    %add3A_6 = arith.addi %mul3A_5, %iota3A_2 : vector<128x128xi32>
    %sub3A = arith.constant 320000 : i32
    %sub3A_7 = vector.broadcast %sub3A : i32 to vector<128x128xi32>
    %sub3A_8 = arith.subi %add3A_6, %sub3A_7 : vector<128x128xi32>
    %lt3A = arith.constant 320000 : i32
    %lt3A_9 = vector.broadcast %lt3A : i32 to vector<128x128xi32>
    %lt3A_10 = arith.cmpi slt, %add3A_6, %lt3A_9 : vector<128x128xi32>
    %get3A = arith.constant 0 : index
    %get3A_11 = arith.constant 0 : index
    %get3A_12 = vector.load %arg2[%get3A, %get3A_11] : memref<128x128xi32, #tpu.memory_space<vmem>>, vector<128x128xi32>
    %mul3A_13 = arith.constant 10000 : i32
    %mul3A_14 = vector.broadcast %mul3A_13 : i32 to vector<128x128xi32>
    %mul3A_15 = arith.muli %get3A_12, %mul3A_14 : vector<128x128xi32>
    %get3A_16 = arith.constant 0 : index
    %get3A_17 = arith.constant 0 : index
    %get3A_18 = arith.constant 0 : index
    %get3A_19 = vector.load %arg1[%get3A_16, %get3A_17, %get3A_18] : memref<2x128x128xi32, #tpu.memory_space<vmem>>, vector<1x128x128xi32>
    %get3A_20 = vector.shape_cast %get3A_19 : vector<1x128x128xi32> to vector<128x128xi32>
    %add3A_21 = arith.addi %mul3A_15, %get3A_20 : vector<128x128xi32>
    %select_n3A = arith.select %lt3A_10, %add3A_21, %sub3A_8 : vector<128x128xi1>, vector<128x128xi32>
    %swap3A = arith.constant 0 : index
    %swap3A_22 = arith.constant 0 : index
    %swap3A_23 = vector.load %arg3[%swap3A, %swap3A_22] : memref<128x128xi32, #tpu.memory_space<vmem>>, vector<128x128xi32>
    tpu.vector_store %arg3[%swap3A, %swap3A_22], %select_n3A {strides = array<i32>} : memref<128x128xi32, #tpu.memory_space<vmem>>, vector<128x128xi32>,
    %get3A_24 = arith.constant 1 : index
    %get3A_25 = arith.constant 0 : index
    %get3A_26 = arith.constant 0 : index
    %get3A_27 = vector.load %arg1[%get3A_24, %get3A_25, %get3A_26] : memref<2x128x128xi32, #tpu.memory_space<vmem>>, vector<1x128x128xi32>
    %get3A_28 = vector.shape_cast %get3A_27 : vector<1x128x128xi32> to vector<128x128xi32>
    %rem3A = arith.constant 240 : i32
    %rem3A_29 = vector.broadcast %rem3A : i32 to vector<128x128xi32>
    %rem3A_30 = arith.remsi %sub3A_8, %rem3A_29 : vector<128x128xi32>
    %add3A_31 = arith.constant 10000 : i32
    %add3A_32 = vector.broadcast %add3A_31 : i32 to vector<128x128xi32>
    %add3A_33 = arith.addi %add3A_32, %rem3A_30 : vector<128x128xi32>
    %select_n3A_34 = arith.select %lt3A_10, %get3A_28, %add3A_33 : vector<128x128xi1>, vector<128x128xi32>
    %swap3A_35 = arith.constant 0 : index
    %swap3A_36 = arith.constant 0 : index
    %swap3A_37 = vector.load %arg4[%swap3A_35, %swap3A_36] : memref<128x128xi32, #tpu.memory_space<vmem>>, vector<128x128xi32>
    tpu.vector_store %arg4[%swap3A_35, %swap3A_36], %select_n3A_34 {strides = array<i32>} : memref<128x128xi32, #tpu.memory_space<vmem>>, vector<128x128xi32>,
    return
  }
  func.func @transform_0(%arg0: i32) -> (i32, i32, i32) {
    %c0_i32 = arith.constant 0 : i32
    %c0_i32_0 = arith.constant 0 : i32
    %c0_i32_1 = arith.constant 0 : i32
    return %c0_i32, %arg0, %c0_i32_0 : i32, i32, i32
  }
  func.func @transform_1(%arg0: i32) -> (i32, i32) {
    %c0_i32 = arith.constant 0 : i32
    %c0_i32_0 = arith.constant 0 : i32
    return %arg0, %c0_i32 : i32, i32
  }
  func.func @transform_2(%arg0: i32) -> (i32, i32) {
    %c0_i32 = arith.constant 0 : i32
    %c0_i32_0 = arith.constant 0 : i32
    return %arg0, %c0_i32 : i32, i32
  }
  func.func @transform_3(%arg0: i32) -> (i32, i32) {
    %c0_i32 = arith.constant 0 : i32
    %c0_i32_0 = arith.constant 0 : i32
    return %arg0, %c0_i32 : i32, i32
  }
}

module attributes {stable_mosaic.version = 14 : i64} {
  func.func @_mm_body(%arg0: i32, %arg1: memref<2000x128xf32, #tpu.memory_space<vmem>>, %arg2: memref<9x128x128xbf16, #tpu.memory_space<vmem>>, %arg3: memref<1x128xf32, #tpu.memory_space<vmem>>, %arg4: memref<8x2000x128xf32, #tpu.memory_space<vmem>>, %arg5: memref<2000x128xf32, #tpu.memory_space<vmem>>) attributes {dimension_semantics = [#tpu.dimension_semantics<arbitrary>], iteration_bounds = array<i64: 5>, scalar_prefetch = 0 : i64, scratch_operands = 0 : i64, tpu.core_type = #tpu.core_type<tc>, window_params = [{transform_indices = @transform_0, window_bounds = array<i64: 2000, 128>}, {pipeline_mode = #tpu.pipeline_mode<synchronous>, transform_indices = @transform_1, window_bounds = array<i64: 9, 128, 128>}, {pipeline_mode = #tpu.pipeline_mode<synchronous>, transform_indices = @transform_2, window_bounds = array<i64: 1, 128>}, {transform_indices = @transform_3, window_bounds = array<i64: 8, 2000, 128>}, {transform_indices = @transform_4, window_bounds = array<i64: 2000, 128>}]} {
    %get3A = arith.constant 0 : index
    %get3A_0 = arith.constant 0 : index
    %get3A_1 = vector.load %arg1[%get3A, %get3A_0] : memref<2000x128xf32, #tpu.memory_space<vmem>>, vector<2000x128xf32>
    %convert_element_type3A = arith.truncf %get3A_1 : vector<2000x128xf32> to vector<2000x128xbf16>
    %get3A_2 = arith.constant 0 : index
    %get3A_3 = arith.constant 0 : index
    %get3A_4 = arith.constant 0 : index
    %get3A_5 = vector.load %arg2[%get3A_2, %get3A_3, %get3A_4] : memref<9x128x128xbf16, #tpu.memory_space<vmem>>, vector<1x128x128xbf16>
    %get3A_6 = vector.shape_cast %get3A_5 : vector<1x128x128xbf16> to vector<128x128xbf16>
    %dot_general3A = arith.constant dense<0.000000e+00> : vector<2000x128xf32>
    %dot_general3A_7 = tpu.matmul %convert_element_type3A, %get3A_6, %dot_general3A {dimension_numbers = #tpu.dot_dimension_numbers<[1], [0], [0], [1], [0, 0, 1, 1], [], []>, transpose_lhs_hint = false} : vector<2000x128xbf16>, vector<128x128xbf16>, vector<2000x128xf32> -> vector<2000x128xf32>
    %swap3A = arith.constant 0 : index
    %swap3A_8 = arith.constant 0 : index
    %swap3A_9 = arith.constant 0 : index
    %swap3A_10 = vector.load %arg4[%swap3A, %swap3A_8, %swap3A_9] : memref<8x2000x128xf32, #tpu.memory_space<vmem>>, vector<1x2000x128xf32>
    %swap3A_11 = vector.shape_cast %swap3A_10 : vector<1x2000x128xf32> to vector<2000x128xf32>
    %swap3A_12 = vector.shape_cast %dot_general3A_7 : vector<2000x128xf32> to vector<1x2000x128xf32>
    tpu.vector_store %arg4[%swap3A, %swap3A_8, %swap3A_9], %swap3A_12 {strides = array<i32>} : memref<8x2000x128xf32, #tpu.memory_space<vmem>>, vector<1x2000x128xf32>,
    %get3A_13 = arith.constant 1 : index
    %get3A_14 = arith.constant 0 : index
    %get3A_15 = arith.constant 0 : index
    %get3A_16 = vector.load %arg2[%get3A_13, %get3A_14, %get3A_15] : memref<9x128x128xbf16, #tpu.memory_space<vmem>>, vector<1x128x128xbf16>
    %get3A_17 = vector.shape_cast %get3A_16 : vector<1x128x128xbf16> to vector<128x128xbf16>
    %dot_general3A_18 = arith.constant dense<0.000000e+00> : vector<2000x128xf32>
    %dot_general3A_19 = tpu.matmul %convert_element_type3A, %get3A_17, %dot_general3A_18 {dimension_numbers = #tpu.dot_dimension_numbers<[1], [0], [0], [1], [0, 0, 1, 1], [], []>, transpose_lhs_hint = false} : vector<2000x128xbf16>, vector<128x128xbf16>, vector<2000x128xf32> -> vector<2000x128xf32>
    %swap3A_20 = arith.constant 1 : index
    %swap3A_21 = arith.constant 0 : index
    %swap3A_22 = arith.constant 0 : index
    %swap3A_23 = vector.load %arg4[%swap3A_20, %swap3A_21, %swap3A_22] : memref<8x2000x128xf32, #tpu.memory_space<vmem>>, vector<1x2000x128xf32>
    %swap3A_24 = vector.shape_cast %swap3A_23 : vector<1x2000x128xf32> to vector<2000x128xf32>
    %swap3A_25 = vector.shape_cast %dot_general3A_19 : vector<2000x128xf32> to vector<1x2000x128xf32>
    tpu.vector_store %arg4[%swap3A_20, %swap3A_21, %swap3A_22], %swap3A_25 {strides = array<i32>} : memref<8x2000x128xf32, #tpu.memory_space<vmem>>, vector<1x2000x128xf32>,
    %get3A_26 = arith.constant 2 : index
    %get3A_27 = arith.constant 0 : index
    %get3A_28 = arith.constant 0 : index
    %get3A_29 = vector.load %arg2[%get3A_26, %get3A_27, %get3A_28] : memref<9x128x128xbf16, #tpu.memory_space<vmem>>, vector<1x128x128xbf16>
    %get3A_30 = vector.shape_cast %get3A_29 : vector<1x128x128xbf16> to vector<128x128xbf16>
    %dot_general3A_31 = arith.constant dense<0.000000e+00> : vector<2000x128xf32>
    %dot_general3A_32 = tpu.matmul %convert_element_type3A, %get3A_30, %dot_general3A_31 {dimension_numbers = #tpu.dot_dimension_numbers<[1], [0], [0], [1], [0, 0, 1, 1], [], []>, transpose_lhs_hint = false} : vector<2000x128xbf16>, vector<128x128xbf16>, vector<2000x128xf32> -> vector<2000x128xf32>
    %swap3A_33 = arith.constant 2 : index
    %swap3A_34 = arith.constant 0 : index
    %swap3A_35 = arith.constant 0 : index
    %swap3A_36 = vector.load %arg4[%swap3A_33, %swap3A_34, %swap3A_35] : memref<8x2000x128xf32, #tpu.memory_space<vmem>>, vector<1x2000x128xf32>
    %swap3A_37 = vector.shape_cast %swap3A_36 : vector<1x2000x128xf32> to vector<2000x128xf32>
    %swap3A_38 = vector.shape_cast %dot_general3A_32 : vector<2000x128xf32> to vector<1x2000x128xf32>
    tpu.vector_store %arg4[%swap3A_33, %swap3A_34, %swap3A_35], %swap3A_38 {strides = array<i32>} : memref<8x2000x128xf32, #tpu.memory_space<vmem>>, vector<1x2000x128xf32>,
    %get3A_39 = arith.constant 3 : index
    %get3A_40 = arith.constant 0 : index
    %get3A_41 = arith.constant 0 : index
    %get3A_42 = vector.load %arg2[%get3A_39, %get3A_40, %get3A_41] : memref<9x128x128xbf16, #tpu.memory_space<vmem>>, vector<1x128x128xbf16>
    %get3A_43 = vector.shape_cast %get3A_42 : vector<1x128x128xbf16> to vector<128x128xbf16>
    %dot_general3A_44 = arith.constant dense<0.000000e+00> : vector<2000x128xf32>
    %dot_general3A_45 = tpu.matmul %convert_element_type3A, %get3A_43, %dot_general3A_44 {dimension_numbers = #tpu.dot_dimension_numbers<[1], [0], [0], [1], [0, 0, 1, 1], [], []>, transpose_lhs_hint = false} : vector<2000x128xbf16>, vector<128x128xbf16>, vector<2000x128xf32> -> vector<2000x128xf32>
    %swap3A_46 = arith.constant 3 : index
    %swap3A_47 = arith.constant 0 : index
    %swap3A_48 = arith.constant 0 : index
    %swap3A_49 = vector.load %arg4[%swap3A_46, %swap3A_47, %swap3A_48] : memref<8x2000x128xf32, #tpu.memory_space<vmem>>, vector<1x2000x128xf32>
    %swap3A_50 = vector.shape_cast %swap3A_49 : vector<1x2000x128xf32> to vector<2000x128xf32>
    %swap3A_51 = vector.shape_cast %dot_general3A_45 : vector<2000x128xf32> to vector<1x2000x128xf32>
    tpu.vector_store %arg4[%swap3A_46, %swap3A_47, %swap3A_48], %swap3A_51 {strides = array<i32>} : memref<8x2000x128xf32, #tpu.memory_space<vmem>>, vector<1x2000x128xf32>,
    %get3A_52 = arith.constant 4 : index
    %get3A_53 = arith.constant 0 : index
    %get3A_54 = arith.constant 0 : index
    %get3A_55 = vector.load %arg2[%get3A_52, %get3A_53, %get3A_54] : memref<9x128x128xbf16, #tpu.memory_space<vmem>>, vector<1x128x128xbf16>
    %get3A_56 = vector.shape_cast %get3A_55 : vector<1x128x128xbf16> to vector<128x128xbf16>
    %dot_general3A_57 = arith.constant dense<0.000000e+00> : vector<2000x128xf32>
    %dot_general3A_58 = tpu.matmul %convert_element_type3A, %get3A_56, %dot_general3A_57 {dimension_numbers = #tpu.dot_dimension_numbers<[1], [0], [0], [1], [0, 0, 1, 1], [], []>, transpose_lhs_hint = false} : vector<2000x128xbf16>, vector<128x128xbf16>, vector<2000x128xf32> -> vector<2000x128xf32>
    %swap3A_59 = arith.constant 4 : index
    %swap3A_60 = arith.constant 0 : index
    %swap3A_61 = arith.constant 0 : index
    %swap3A_62 = vector.load %arg4[%swap3A_59, %swap3A_60, %swap3A_61] : memref<8x2000x128xf32, #tpu.memory_space<vmem>>, vector<1x2000x128xf32>
    %swap3A_63 = vector.shape_cast %swap3A_62 : vector<1x2000x128xf32> to vector<2000x128xf32>
    %swap3A_64 = vector.shape_cast %dot_general3A_58 : vector<2000x128xf32> to vector<1x2000x128xf32>
    tpu.vector_store %arg4[%swap3A_59, %swap3A_60, %swap3A_61], %swap3A_64 {strides = array<i32>} : memref<8x2000x128xf32, #tpu.memory_space<vmem>>, vector<1x2000x128xf32>,
    %get3A_65 = arith.constant 5 : index
    %get3A_66 = arith.constant 0 : index
    %get3A_67 = arith.constant 0 : index
    %get3A_68 = vector.load %arg2[%get3A_65, %get3A_66, %get3A_67] : memref<9x128x128xbf16, #tpu.memory_space<vmem>>, vector<1x128x128xbf16>
    %get3A_69 = vector.shape_cast %get3A_68 : vector<1x128x128xbf16> to vector<128x128xbf16>
    %dot_general3A_70 = arith.constant dense<0.000000e+00> : vector<2000x128xf32>
    %dot_general3A_71 = tpu.matmul %convert_element_type3A, %get3A_69, %dot_general3A_70 {dimension_numbers = #tpu.dot_dimension_numbers<[1], [0], [0], [1], [0, 0, 1, 1], [], []>, transpose_lhs_hint = false} : vector<2000x128xbf16>, vector<128x128xbf16>, vector<2000x128xf32> -> vector<2000x128xf32>
    %swap3A_72 = arith.constant 5 : index
    %swap3A_73 = arith.constant 0 : index
    %swap3A_74 = arith.constant 0 : index
    %swap3A_75 = vector.load %arg4[%swap3A_72, %swap3A_73, %swap3A_74] : memref<8x2000x128xf32, #tpu.memory_space<vmem>>, vector<1x2000x128xf32>
    %swap3A_76 = vector.shape_cast %swap3A_75 : vector<1x2000x128xf32> to vector<2000x128xf32>
    %swap3A_77 = vector.shape_cast %dot_general3A_71 : vector<2000x128xf32> to vector<1x2000x128xf32>
    tpu.vector_store %arg4[%swap3A_72, %swap3A_73, %swap3A_74], %swap3A_77 {strides = array<i32>} : memref<8x2000x128xf32, #tpu.memory_space<vmem>>, vector<1x2000x128xf32>,
    %get3A_78 = arith.constant 6 : index
    %get3A_79 = arith.constant 0 : index
    %get3A_80 = arith.constant 0 : index
    %get3A_81 = vector.load %arg2[%get3A_78, %get3A_79, %get3A_80] : memref<9x128x128xbf16, #tpu.memory_space<vmem>>, vector<1x128x128xbf16>
    %get3A_82 = vector.shape_cast %get3A_81 : vector<1x128x128xbf16> to vector<128x128xbf16>
    %dot_general3A_83 = arith.constant dense<0.000000e+00> : vector<2000x128xf32>
    %dot_general3A_84 = tpu.matmul %convert_element_type3A, %get3A_82, %dot_general3A_83 {dimension_numbers = #tpu.dot_dimension_numbers<[1], [0], [0], [1], [0, 0, 1, 1], [], []>, transpose_lhs_hint = false} : vector<2000x128xbf16>, vector<128x128xbf16>, vector<2000x128xf32> -> vector<2000x128xf32>
    %swap3A_85 = arith.constant 6 : index
    %swap3A_86 = arith.constant 0 : index
    %swap3A_87 = arith.constant 0 : index
    %swap3A_88 = vector.load %arg4[%swap3A_85, %swap3A_86, %swap3A_87] : memref<8x2000x128xf32, #tpu.memory_space<vmem>>, vector<1x2000x128xf32>
    %swap3A_89 = vector.shape_cast %swap3A_88 : vector<1x2000x128xf32> to vector<2000x128xf32>
    %swap3A_90 = vector.shape_cast %dot_general3A_84 : vector<2000x128xf32> to vector<1x2000x128xf32>
    tpu.vector_store %arg4[%swap3A_85, %swap3A_86, %swap3A_87], %swap3A_90 {strides = array<i32>} : memref<8x2000x128xf32, #tpu.memory_space<vmem>>, vector<1x2000x128xf32>,
    %get3A_91 = arith.constant 7 : index
    %get3A_92 = arith.constant 0 : index
    %get3A_93 = arith.constant 0 : index
    %get3A_94 = vector.load %arg2[%get3A_91, %get3A_92, %get3A_93] : memref<9x128x128xbf16, #tpu.memory_space<vmem>>, vector<1x128x128xbf16>
    %get3A_95 = vector.shape_cast %get3A_94 : vector<1x128x128xbf16> to vector<128x128xbf16>
    %dot_general3A_96 = arith.constant dense<0.000000e+00> : vector<2000x128xf32>
    %dot_general3A_97 = tpu.matmul %convert_element_type3A, %get3A_95, %dot_general3A_96 {dimension_numbers = #tpu.dot_dimension_numbers<[1], [0], [0], [1], [0, 0, 1, 1], [], []>, transpose_lhs_hint = false} : vector<2000x128xbf16>, vector<128x128xbf16>, vector<2000x128xf32> -> vector<2000x128xf32>
    %swap3A_98 = arith.constant 7 : index
    %swap3A_99 = arith.constant 0 : index
    %swap3A_100 = arith.constant 0 : index
    %swap3A_101 = vector.load %arg4[%swap3A_98, %swap3A_99, %swap3A_100] : memref<8x2000x128xf32, #tpu.memory_space<vmem>>, vector<1x2000x128xf32>
    %swap3A_102 = vector.shape_cast %swap3A_101 : vector<1x2000x128xf32> to vector<2000x128xf32>
    %swap3A_103 = vector.shape_cast %dot_general3A_97 : vector<2000x128xf32> to vector<1x2000x128xf32>
    tpu.vector_store %arg4[%swap3A_98, %swap3A_99, %swap3A_100], %swap3A_103 {strides = array<i32>} : memref<8x2000x128xf32, #tpu.memory_space<vmem>>, vector<1x2000x128xf32>,
    %get3A_104 = arith.constant 8 : index
    %get3A_105 = arith.constant 0 : index
    %get3A_106 = arith.constant 0 : index
    %get3A_107 = vector.load %arg2[%get3A_104, %get3A_105, %get3A_106] : memref<9x128x128xbf16, #tpu.memory_space<vmem>>, vector<1x128x128xbf16>
    %get3A_108 = vector.shape_cast %get3A_107 : vector<1x128x128xbf16> to vector<128x128xbf16>
    %dot_general3A_109 = arith.constant dense<0.000000e+00> : vector<2000x128xf32>
    %dot_general3A_110 = tpu.matmul %convert_element_type3A, %get3A_108, %dot_general3A_109 {dimension_numbers = #tpu.dot_dimension_numbers<[1], [0], [0], [1], [0, 0, 1, 1], [], []>, transpose_lhs_hint = false} : vector<2000x128xbf16>, vector<128x128xbf16>, vector<2000x128xf32> -> vector<2000x128xf32>
    %get3A_111 = arith.constant 0 : index
    %get3A_112 = arith.constant 0 : index
    %get3A_113 = vector.load %arg3[%get3A_111, %get3A_112] : memref<1x128xf32, #tpu.memory_space<vmem>>, vector<1x128xf32>
    %add3A = vector.broadcast %get3A_113 : vector<1x128xf32> to vector<2000x128xf32>
    %add3A_114 = arith.addf %dot_general3A_110, %add3A : vector<2000x128xf32>
    %swap3A_115 = arith.constant 0 : index
    %swap3A_116 = arith.constant 0 : index
    %swap3A_117 = vector.load %arg5[%swap3A_115, %swap3A_116] : memref<2000x128xf32, #tpu.memory_space<vmem>>, vector<2000x128xf32>
    tpu.vector_store %arg5[%swap3A_115, %swap3A_116], %add3A_114 {strides = array<i32>} : memref<2000x128xf32, #tpu.memory_space<vmem>>, vector<2000x128xf32>,
    return
  }
  func.func @transform_0(%arg0: i32) -> (i32, i32) {
    %c0_i32 = arith.constant 0 : i32
    %c0_i32_0 = arith.constant 0 : i32
    return %arg0, %c0_i32 : i32, i32
  }
  func.func @transform_1(%arg0: i32) -> (i32, i32, i32) {
    %c0_i32 = arith.constant 0 : i32
    %c0_i32_0 = arith.constant 0 : i32
    %c0_i32_1 = arith.constant 0 : i32
    %c0_i32_2 = arith.constant 0 : i32
    return %c0_i32, %c0_i32_0, %c0_i32_1 : i32, i32, i32
  }
  func.func @transform_2(%arg0: i32) -> (i32, i32) {
    %c0_i32 = arith.constant 0 : i32
    %c0_i32_0 = arith.constant 0 : i32
    %c0_i32_1 = arith.constant 0 : i32
    return %c0_i32, %c0_i32_0 : i32, i32
  }
  func.func @transform_3(%arg0: i32) -> (i32, i32, i32) {
    %c0_i32 = arith.constant 0 : i32
    %c0_i32_0 = arith.constant 0 : i32
    %c0_i32_1 = arith.constant 0 : i32
    return %c0_i32, %arg0, %c0_i32_0 : i32, i32, i32
  }
  func.func @transform_4(%arg0: i32) -> (i32, i32) {
    %c0_i32 = arith.constant 0 : i32
    %c0_i32_0 = arith.constant 0 : i32
    return %arg0, %c0_i32 : i32, i32
  }
}

module attributes {stable_mosaic.version = 14 : i64} {
  func.func @_mm_combine_body(%arg0: i32, %arg1: memref<2x2000x128xf32, #tpu.memory_space<vmem>>, %arg2: memref<2000x128xf32, #tpu.memory_space<vmem>>, %arg3: memref<9x128x128xbf16, #tpu.memory_space<vmem>>, %arg4: memref<1x128xf32, #tpu.memory_space<vmem>>, %arg5: memref<8x2000x128xf32, #tpu.memory_space<vmem>>, %arg6: memref<2000x128xf32, #tpu.memory_space<vmem>>) attributes {dimension_semantics = [#tpu.dimension_semantics<arbitrary>], iteration_bounds = array<i64: 5>, scalar_prefetch = 0 : i64, scratch_operands = 0 : i64, tpu.core_type = #tpu.core_type<tc>, window_params = [{transform_indices = @transform_0, window_bounds = array<i64: 2, 2000, 128>}, {transform_indices = @transform_1, window_bounds = array<i64: 2000, 128>}, {pipeline_mode = #tpu.pipeline_mode<synchronous>, transform_indices = @transform_2, window_bounds = array<i64: 9, 128, 128>}, {pipeline_mode = #tpu.pipeline_mode<synchronous>, transform_indices = @transform_3, window_bounds = array<i64: 1, 128>}, {transform_indices = @transform_4, window_bounds = array<i64: 8, 2000, 128>}, {transform_indices = @transform_5, window_bounds = array<i64: 2000, 128>}]} {
    %get3A = arith.constant 0 : index
    %get3A_0 = arith.constant 0 : index
    %get3A_1 = arith.constant 0 : index
    %get3A_2 = vector.load %arg1[%get3A, %get3A_0, %get3A_1] : memref<2x2000x128xf32, #tpu.memory_space<vmem>>, vector<1x2000x128xf32>
    %get3A_3 = vector.shape_cast %get3A_2 : vector<1x2000x128xf32> to vector<2000x128xf32>
    %get3A_4 = arith.constant 1 : index
    %get3A_5 = arith.constant 0 : index
    %get3A_6 = arith.constant 0 : index
    %get3A_7 = vector.load %arg1[%get3A_4, %get3A_5, %get3A_6] : memref<2x2000x128xf32, #tpu.memory_space<vmem>>, vector<1x2000x128xf32>
    %get3A_8 = vector.shape_cast %get3A_7 : vector<1x2000x128xf32> to vector<2000x128xf32>
    %add3A = arith.addf %get3A_3, %get3A_8 : vector<2000x128xf32>
    %get3A_9 = arith.constant 0 : index
    %get3A_10 = arith.constant 0 : index
    %get3A_11 = vector.load %arg2[%get3A_9, %get3A_10] : memref<2000x128xf32, #tpu.memory_space<vmem>>, vector<2000x128xf32>
    %add3A_12 = arith.addf %add3A, %get3A_11 : vector<2000x128xf32>
    %max3A = arith.constant 0.000000e+00 : f32
    %max3A_13 = vector.broadcast %max3A : f32 to vector<2000x128xf32>
    %max3A_14 = arith.maximumf %add3A_12, %max3A_13 : vector<2000x128xf32>
    %convert_element_type3A = arith.truncf %max3A_14 : vector<2000x128xf32> to vector<2000x128xbf16>
    %get3A_15 = arith.constant 0 : index
    %get3A_16 = arith.constant 0 : index
    %get3A_17 = arith.constant 0 : index
    %get3A_18 = vector.load %arg3[%get3A_15, %get3A_16, %get3A_17] : memref<9x128x128xbf16, #tpu.memory_space<vmem>>, vector<1x128x128xbf16>
    %get3A_19 = vector.shape_cast %get3A_18 : vector<1x128x128xbf16> to vector<128x128xbf16>
    %dot_general3A = arith.constant dense<0.000000e+00> : vector<2000x128xf32>
    %dot_general3A_20 = tpu.matmul %convert_element_type3A, %get3A_19, %dot_general3A {dimension_numbers = #tpu.dot_dimension_numbers<[1], [0], [0], [1], [0, 0, 1, 1], [], []>, transpose_lhs_hint = false} : vector<2000x128xbf16>, vector<128x128xbf16>, vector<2000x128xf32> -> vector<2000x128xf32>
    %swap3A = arith.constant 0 : index
    %swap3A_21 = arith.constant 0 : index
    %swap3A_22 = arith.constant 0 : index
    %swap3A_23 = vector.load %arg5[%swap3A, %swap3A_21, %swap3A_22] : memref<8x2000x128xf32, #tpu.memory_space<vmem>>, vector<1x2000x128xf32>
    %swap3A_24 = vector.shape_cast %swap3A_23 : vector<1x2000x128xf32> to vector<2000x128xf32>
    %swap3A_25 = vector.shape_cast %dot_general3A_20 : vector<2000x128xf32> to vector<1x2000x128xf32>
    tpu.vector_store %arg5[%swap3A, %swap3A_21, %swap3A_22], %swap3A_25 {strides = array<i32>} : memref<8x2000x128xf32, #tpu.memory_space<vmem>>, vector<1x2000x128xf32>,
    %get3A_26 = arith.constant 1 : index
    %get3A_27 = arith.constant 0 : index
    %get3A_28 = arith.constant 0 : index
    %get3A_29 = vector.load %arg3[%get3A_26, %get3A_27, %get3A_28] : memref<9x128x128xbf16, #tpu.memory_space<vmem>>, vector<1x128x128xbf16>
    %get3A_30 = vector.shape_cast %get3A_29 : vector<1x128x128xbf16> to vector<128x128xbf16>
    %dot_general3A_31 = arith.constant dense<0.000000e+00> : vector<2000x128xf32>
    %dot_general3A_32 = tpu.matmul %convert_element_type3A, %get3A_30, %dot_general3A_31 {dimension_numbers = #tpu.dot_dimension_numbers<[1], [0], [0], [1], [0, 0, 1, 1], [], []>, transpose_lhs_hint = false} : vector<2000x128xbf16>, vector<128x128xbf16>, vector<2000x128xf32> -> vector<2000x128xf32>
    %swap3A_33 = arith.constant 1 : index
    %swap3A_34 = arith.constant 0 : index
    %swap3A_35 = arith.constant 0 : index
    %swap3A_36 = vector.load %arg5[%swap3A_33, %swap3A_34, %swap3A_35] : memref<8x2000x128xf32, #tpu.memory_space<vmem>>, vector<1x2000x128xf32>
    %swap3A_37 = vector.shape_cast %swap3A_36 : vector<1x2000x128xf32> to vector<2000x128xf32>
    %swap3A_38 = vector.shape_cast %dot_general3A_32 : vector<2000x128xf32> to vector<1x2000x128xf32>
    tpu.vector_store %arg5[%swap3A_33, %swap3A_34, %swap3A_35], %swap3A_38 {strides = array<i32>} : memref<8x2000x128xf32, #tpu.memory_space<vmem>>, vector<1x2000x128xf32>,
    %get3A_39 = arith.constant 2 : index
    %get3A_40 = arith.constant 0 : index
    %get3A_41 = arith.constant 0 : index
    %get3A_42 = vector.load %arg3[%get3A_39, %get3A_40, %get3A_41] : memref<9x128x128xbf16, #tpu.memory_space<vmem>>, vector<1x128x128xbf16>
    %get3A_43 = vector.shape_cast %get3A_42 : vector<1x128x128xbf16> to vector<128x128xbf16>
    %dot_general3A_44 = arith.constant dense<0.000000e+00> : vector<2000x128xf32>
    %dot_general3A_45 = tpu.matmul %convert_element_type3A, %get3A_43, %dot_general3A_44 {dimension_numbers = #tpu.dot_dimension_numbers<[1], [0], [0], [1], [0, 0, 1, 1], [], []>, transpose_lhs_hint = false} : vector<2000x128xbf16>, vector<128x128xbf16>, vector<2000x128xf32> -> vector<2000x128xf32>
    %swap3A_46 = arith.constant 2 : index
    %swap3A_47 = arith.constant 0 : index
    %swap3A_48 = arith.constant 0 : index
    %swap3A_49 = vector.load %arg5[%swap3A_46, %swap3A_47, %swap3A_48] : memref<8x2000x128xf32, #tpu.memory_space<vmem>>, vector<1x2000x128xf32>
    %swap3A_50 = vector.shape_cast %swap3A_49 : vector<1x2000x128xf32> to vector<2000x128xf32>
    %swap3A_51 = vector.shape_cast %dot_general3A_45 : vector<2000x128xf32> to vector<1x2000x128xf32>
    tpu.vector_store %arg5[%swap3A_46, %swap3A_47, %swap3A_48], %swap3A_51 {strides = array<i32>} : memref<8x2000x128xf32, #tpu.memory_space<vmem>>, vector<1x2000x128xf32>,
    %get3A_52 = arith.constant 3 : index
    %get3A_53 = arith.constant 0 : index
    %get3A_54 = arith.constant 0 : index
    %get3A_55 = vector.load %arg3[%get3A_52, %get3A_53, %get3A_54] : memref<9x128x128xbf16, #tpu.memory_space<vmem>>, vector<1x128x128xbf16>
    %get3A_56 = vector.shape_cast %get3A_55 : vector<1x128x128xbf16> to vector<128x128xbf16>
    %dot_general3A_57 = arith.constant dense<0.000000e+00> : vector<2000x128xf32>
    %dot_general3A_58 = tpu.matmul %convert_element_type3A, %get3A_56, %dot_general3A_57 {dimension_numbers = #tpu.dot_dimension_numbers<[1], [0], [0], [1], [0, 0, 1, 1], [], []>, transpose_lhs_hint = false} : vector<2000x128xbf16>, vector<128x128xbf16>, vector<2000x128xf32> -> vector<2000x128xf32>
    %swap3A_59 = arith.constant 3 : index
    %swap3A_60 = arith.constant 0 : index
    %swap3A_61 = arith.constant 0 : index
    %swap3A_62 = vector.load %arg5[%swap3A_59, %swap3A_60, %swap3A_61] : memref<8x2000x128xf32, #tpu.memory_space<vmem>>, vector<1x2000x128xf32>
    %swap3A_63 = vector.shape_cast %swap3A_62 : vector<1x2000x128xf32> to vector<2000x128xf32>
    %swap3A_64 = vector.shape_cast %dot_general3A_58 : vector<2000x128xf32> to vector<1x2000x128xf32>
    tpu.vector_store %arg5[%swap3A_59, %swap3A_60, %swap3A_61], %swap3A_64 {strides = array<i32>} : memref<8x2000x128xf32, #tpu.memory_space<vmem>>, vector<1x2000x128xf32>,
    %get3A_65 = arith.constant 4 : index
    %get3A_66 = arith.constant 0 : index
    %get3A_67 = arith.constant 0 : index
    %get3A_68 = vector.load %arg3[%get3A_65, %get3A_66, %get3A_67] : memref<9x128x128xbf16, #tpu.memory_space<vmem>>, vector<1x128x128xbf16>
    %get3A_69 = vector.shape_cast %get3A_68 : vector<1x128x128xbf16> to vector<128x128xbf16>
    %dot_general3A_70 = arith.constant dense<0.000000e+00> : vector<2000x128xf32>
    %dot_general3A_71 = tpu.matmul %convert_element_type3A, %get3A_69, %dot_general3A_70 {dimension_numbers = #tpu.dot_dimension_numbers<[1], [0], [0], [1], [0, 0, 1, 1], [], []>, transpose_lhs_hint = false} : vector<2000x128xbf16>, vector<128x128xbf16>, vector<2000x128xf32> -> vector<2000x128xf32>
    %swap3A_72 = arith.constant 4 : index
    %swap3A_73 = arith.constant 0 : index
    %swap3A_74 = arith.constant 0 : index
    %swap3A_75 = vector.load %arg5[%swap3A_72, %swap3A_73, %swap3A_74] : memref<8x2000x128xf32, #tpu.memory_space<vmem>>, vector<1x2000x128xf32>
    %swap3A_76 = vector.shape_cast %swap3A_75 : vector<1x2000x128xf32> to vector<2000x128xf32>
    %swap3A_77 = vector.shape_cast %dot_general3A_71 : vector<2000x128xf32> to vector<1x2000x128xf32>
    tpu.vector_store %arg5[%swap3A_72, %swap3A_73, %swap3A_74], %swap3A_77 {strides = array<i32>} : memref<8x2000x128xf32, #tpu.memory_space<vmem>>, vector<1x2000x128xf32>,
    %get3A_78 = arith.constant 5 : index
    %get3A_79 = arith.constant 0 : index
    %get3A_80 = arith.constant 0 : index
    %get3A_81 = vector.load %arg3[%get3A_78, %get3A_79, %get3A_80] : memref<9x128x128xbf16, #tpu.memory_space<vmem>>, vector<1x128x128xbf16>
    %get3A_82 = vector.shape_cast %get3A_81 : vector<1x128x128xbf16> to vector<128x128xbf16>
    %dot_general3A_83 = arith.constant dense<0.000000e+00> : vector<2000x128xf32>
    %dot_general3A_84 = tpu.matmul %convert_element_type3A, %get3A_82, %dot_general3A_83 {dimension_numbers = #tpu.dot_dimension_numbers<[1], [0], [0], [1], [0, 0, 1, 1], [], []>, transpose_lhs_hint = false} : vector<2000x128xbf16>, vector<128x128xbf16>, vector<2000x128xf32> -> vector<2000x128xf32>
    %swap3A_85 = arith.constant 5 : index
    %swap3A_86 = arith.constant 0 : index
    %swap3A_87 = arith.constant 0 : index
    %swap3A_88 = vector.load %arg5[%swap3A_85, %swap3A_86, %swap3A_87] : memref<8x2000x128xf32, #tpu.memory_space<vmem>>, vector<1x2000x128xf32>
    %swap3A_89 = vector.shape_cast %swap3A_88 : vector<1x2000x128xf32> to vector<2000x128xf32>
    %swap3A_90 = vector.shape_cast %dot_general3A_84 : vector<2000x128xf32> to vector<1x2000x128xf32>
    tpu.vector_store %arg5[%swap3A_85, %swap3A_86, %swap3A_87], %swap3A_90 {strides = array<i32>} : memref<8x2000x128xf32, #tpu.memory_space<vmem>>, vector<1x2000x128xf32>,
    %get3A_91 = arith.constant 6 : index
    %get3A_92 = arith.constant 0 : index
    %get3A_93 = arith.constant 0 : index
    %get3A_94 = vector.load %arg3[%get3A_91, %get3A_92, %get3A_93] : memref<9x128x128xbf16, #tpu.memory_space<vmem>>, vector<1x128x128xbf16>
    %get3A_95 = vector.shape_cast %get3A_94 : vector<1x128x128xbf16> to vector<128x128xbf16>
    %dot_general3A_96 = arith.constant dense<0.000000e+00> : vector<2000x128xf32>
    %dot_general3A_97 = tpu.matmul %convert_element_type3A, %get3A_95, %dot_general3A_96 {dimension_numbers = #tpu.dot_dimension_numbers<[1], [0], [0], [1], [0, 0, 1, 1], [], []>, transpose_lhs_hint = false} : vector<2000x128xbf16>, vector<128x128xbf16>, vector<2000x128xf32> -> vector<2000x128xf32>
    %swap3A_98 = arith.constant 6 : index
    %swap3A_99 = arith.constant 0 : index
    %swap3A_100 = arith.constant 0 : index
    %swap3A_101 = vector.load %arg5[%swap3A_98, %swap3A_99, %swap3A_100] : memref<8x2000x128xf32, #tpu.memory_space<vmem>>, vector<1x2000x128xf32>
    %swap3A_102 = vector.shape_cast %swap3A_101 : vector<1x2000x128xf32> to vector<2000x128xf32>
    %swap3A_103 = vector.shape_cast %dot_general3A_97 : vector<2000x128xf32> to vector<1x2000x128xf32>
    tpu.vector_store %arg5[%swap3A_98, %swap3A_99, %swap3A_100], %swap3A_103 {strides = array<i32>} : memref<8x2000x128xf32, #tpu.memory_space<vmem>>, vector<1x2000x128xf32>,
    %get3A_104 = arith.constant 7 : index
    %get3A_105 = arith.constant 0 : index
    %get3A_106 = arith.constant 0 : index
    %get3A_107 = vector.load %arg3[%get3A_104, %get3A_105, %get3A_106] : memref<9x128x128xbf16, #tpu.memory_space<vmem>>, vector<1x128x128xbf16>
    %get3A_108 = vector.shape_cast %get3A_107 : vector<1x128x128xbf16> to vector<128x128xbf16>
    %dot_general3A_109 = arith.constant dense<0.000000e+00> : vector<2000x128xf32>
    %dot_general3A_110 = tpu.matmul %convert_element_type3A, %get3A_108, %dot_general3A_109 {dimension_numbers = #tpu.dot_dimension_numbers<[1], [0], [0], [1], [0, 0, 1, 1], [], []>, transpose_lhs_hint = false} : vector<2000x128xbf16>, vector<128x128xbf16>, vector<2000x128xf32> -> vector<2000x128xf32>
    %swap3A_111 = arith.constant 7 : index
    %swap3A_112 = arith.constant 0 : index
    %swap3A_113 = arith.constant 0 : index
    %swap3A_114 = vector.load %arg5[%swap3A_111, %swap3A_112, %swap3A_113] : memref<8x2000x128xf32, #tpu.memory_space<vmem>>, vector<1x2000x128xf32>
    %swap3A_115 = vector.shape_cast %swap3A_114 : vector<1x2000x128xf32> to vector<2000x128xf32>
    %swap3A_116 = vector.shape_cast %dot_general3A_110 : vector<2000x128xf32> to vector<1x2000x128xf32>
    tpu.vector_store %arg5[%swap3A_111, %swap3A_112, %swap3A_113], %swap3A_116 {strides = array<i32>} : memref<8x2000x128xf32, #tpu.memory_space<vmem>>, vector<1x2000x128xf32>,
    %get3A_117 = arith.constant 8 : index
    %get3A_118 = arith.constant 0 : index
    %get3A_119 = arith.constant 0 : index
    %get3A_120 = vector.load %arg3[%get3A_117, %get3A_118, %get3A_119] : memref<9x128x128xbf16, #tpu.memory_space<vmem>>, vector<1x128x128xbf16>
    %get3A_121 = vector.shape_cast %get3A_120 : vector<1x128x128xbf16> to vector<128x128xbf16>
    %dot_general3A_122 = arith.constant dense<0.000000e+00> : vector<2000x128xf32>
    %dot_general3A_123 = tpu.matmul %convert_element_type3A, %get3A_121, %dot_general3A_122 {dimension_numbers = #tpu.dot_dimension_numbers<[1], [0], [0], [1], [0, 0, 1, 1], [], []>, transpose_lhs_hint = false} : vector<2000x128xbf16>, vector<128x128xbf16>, vector<2000x128xf32> -> vector<2000x128xf32>
    %get3A_124 = arith.constant 0 : index
    %get3A_125 = arith.constant 0 : index
    %get3A_126 = vector.load %arg4[%get3A_124, %get3A_125] : memref<1x128xf32, #tpu.memory_space<vmem>>, vector<1x128xf32>
    %add3A_127 = vector.broadcast %get3A_126 : vector<1x128xf32> to vector<2000x128xf32>
    %add3A_128 = arith.addf %dot_general3A_123, %add3A_127 : vector<2000x128xf32>
    %swap3A_129 = arith.constant 0 : index
    %swap3A_130 = arith.constant 0 : index
    %swap3A_131 = vector.load %arg6[%swap3A_129, %swap3A_130] : memref<2000x128xf32, #tpu.memory_space<vmem>>, vector<2000x128xf32>
    tpu.vector_store %arg6[%swap3A_129, %swap3A_130], %add3A_128 {strides = array<i32>} : memref<2000x128xf32, #tpu.memory_space<vmem>>, vector<2000x128xf32>,
    return
  }
  func.func @transform_0(%arg0: i32) -> (i32, i32, i32) {
    %c0_i32 = arith.constant 0 : i32
    %c0_i32_0 = arith.constant 0 : i32
    %c0_i32_1 = arith.constant 0 : i32
    return %c0_i32, %arg0, %c0_i32_0 : i32, i32, i32
  }
  func.func @transform_1(%arg0: i32) -> (i32, i32) {
    %c0_i32 = arith.constant 0 : i32
    %c0_i32_0 = arith.constant 0 : i32
    return %arg0, %c0_i32 : i32, i32
  }
  func.func @transform_2(%arg0: i32) -> (i32, i32, i32) {
    %c0_i32 = arith.constant 0 : i32
    %c0_i32_0 = arith.constant 0 : i32
    %c0_i32_1 = arith.constant 0 : i32
    %c0_i32_2 = arith.constant 0 : i32
    return %c0_i32, %c0_i32_0, %c0_i32_1 : i32, i32, i32
  }
  func.func @transform_3(%arg0: i32) -> (i32, i32) {
    %c0_i32 = arith.constant 0 : i32
    %c0_i32_0 = arith.constant 0 : i32
    %c0_i32_1 = arith.constant 0 : i32
    return %c0_i32, %c0_i32_0 : i32, i32
  }
  func.func @transform_4(%arg0: i32) -> (i32, i32, i32) {
    %c0_i32 = arith.constant 0 : i32
    %c0_i32_0 = arith.constant 0 : i32
    %c0_i32_1 = arith.constant 0 : i32
    return %c0_i32, %arg0, %c0_i32_0 : i32, i32, i32
  }
  func.func @transform_5(%arg0: i32) -> (i32, i32) {
    %c0_i32 = arith.constant 0 : i32
    %c0_i32_0 = arith.constant 0 : i32
    return %arg0, %c0_i32 : i32, i32
  }
}

module attributes {stable_mosaic.version = 14 : i64} {
  func.func @_final_body(%arg0: i32, %arg1: memref<2x2000x128xf32, #tpu.memory_space<vmem>>, %arg2: memref<2000x128xf32, #tpu.memory_space<vmem>>, %arg3: memref<2000x128xf32, #tpu.memory_space<vmem>>) attributes {dimension_semantics = [#tpu.dimension_semantics<arbitrary>], iteration_bounds = array<i64: 5>, scalar_prefetch = 0 : i64, scratch_operands = 0 : i64, tpu.core_type = #tpu.core_type<tc>, window_params = [{transform_indices = @transform_0, window_bounds = array<i64: 2, 2000, 128>}, {transform_indices = @transform_1, window_bounds = array<i64: 2000, 128>}, {transform_indices = @transform_2, window_bounds = array<i64: 2000, 128>}]} {
    %get3A = arith.constant 0 : index
    %get3A_0 = arith.constant 0 : index
    %get3A_1 = arith.constant 0 : index
    %get3A_2 = vector.load %arg1[%get3A, %get3A_0, %get3A_1] : memref<2x2000x128xf32, #tpu.memory_space<vmem>>, vector<1x2000x128xf32>
    %get3A_3 = vector.shape_cast %get3A_2 : vector<1x2000x128xf32> to vector<2000x128xf32>
    %get3A_4 = arith.constant 1 : index
    %get3A_5 = arith.constant 0 : index
    %get3A_6 = arith.constant 0 : index
    %get3A_7 = vector.load %arg1[%get3A_4, %get3A_5, %get3A_6] : memref<2x2000x128xf32, #tpu.memory_space<vmem>>, vector<1x2000x128xf32>
    %get3A_8 = vector.shape_cast %get3A_7 : vector<1x2000x128xf32> to vector<2000x128xf32>
    %add3A = arith.addf %get3A_3, %get3A_8 : vector<2000x128xf32>
    %get3A_9 = arith.constant 0 : index
    %get3A_10 = arith.constant 0 : index
    %get3A_11 = vector.load %arg2[%get3A_9, %get3A_10] : memref<2000x128xf32, #tpu.memory_space<vmem>>, vector<2000x128xf32>
    %add3A_12 = arith.addf %add3A, %get3A_11 : vector<2000x128xf32>
    %swap3A = arith.constant 0 : index
    %swap3A_13 = arith.constant 0 : index
    %swap3A_14 = vector.load %arg3[%swap3A, %swap3A_13] : memref<2000x128xf32, #tpu.memory_space<vmem>>, vector<2000x128xf32>
    tpu.vector_store %arg3[%swap3A, %swap3A_13], %add3A_12 {strides = array<i32>} : memref<2000x128xf32, #tpu.memory_space<vmem>>, vector<2000x128xf32>,
    return
  }
  func.func @transform_0(%arg0: i32) -> (i32, i32, i32) {
    %c0_i32 = arith.constant 0 : i32
    %c0_i32_0 = arith.constant 0 : i32
    %c0_i32_1 = arith.constant 0 : i32
    return %c0_i32, %arg0, %c0_i32_0 : i32, i32, i32
  }
  func.func @transform_1(%arg0: i32) -> (i32, i32) {
    %c0_i32 = arith.constant 0 : i32
    %c0_i32_0 = arith.constant 0 : i32
    return %arg0, %c0_i32 : i32, i32
  }
  func.func @transform_2(%arg0: i32) -> (i32, i32) {
    %c0_i32 = arith.constant 0 : i32
    %c0_i32_0 = arith.constant 0 : i32
    return %arg0, %c0_i32 : i32, i32
  }
}

</mosaic_0001>

<sc_bundles>
// kernel: kernel.11.cloned.1.call-start
scs
__scs_entry_jumppad:
0x0: {  	(pc) =	sbr.rel $0x88, $3  }
0x1: {  	(tag) =	ssettag $0x0;
	lr =	simm.s32 $0x1  }
0x2: {  	[smem:$0x3F98] =	sst lr;
	_ =	strace $0xD0000000  }
0x3: {  	_ = 	snop  }
0x4: {  	_ = 	snop  }
0x5: {  	_ = 	snop  }
0x6: {  	_ = 	snop  }
0x7: {  	_ = 	snop  }
__scs_overlays_trampoline_lowered:
0x8: {  	[smem:$0x3FA7] =	sst s0  }
0x9: {  	[smem:$0x3FA8] =	sst s1  }
0xa: {  	[smem:$0x3FA9] =	sst s2  }
0xb: {  	[smem:$0x3FAA] =	sst s3  }
0xc: {  	[smem:$0x3FAB] =	sst s4  }
0xd: {  	[smem:$0x3FAC] =	sst s5  }
0xe: {  	[smem:$0x3FAD] =	sst s6  }
0xf: {  	[smem:$0x3FAE] =	sst s7  }
0x10: {  	[smem:$0x3FAF] =	sst s8  }
0x11: {  	[smem:$0x3FB0] =	sst s9;
	s0 =	simm.s32 @!p0 $0x0  }
0x12: {  	s1 =	sld [smem:$0x3F96];
	s0 =	simm.s32 @p0 $0x1  }
0x13: {  	[smem:$0x3FB1] =	sst s0;
	s0 =	simm.s32 @!p1 $0x0  }
0x14: {  	s2 =	sld [smem:$0x3F95];
	s0 =	simm.s32 @p1 $0x1  }
0x15: {  	[smem:$0x3FB2] =	sst s0;
	s0 =	simm.s32 @!p2 $0x0  }
0x16: {  	s3 =	sld [smem:$0x3FDB];
	s0 =	simm.s32 @p2 $0x1  }
0x17: {  	s4 =	simm.s32 $0x1BF5;
	[smem:$0x3FB4] =	sst s0  }
0x18: {  	s0 =	sld [smem:$0x3F97];
	_ =	swait.ge [sflag:s4], $0x0  }
0x19: {  	s7 =	sld [smem:$0x3F98]  }
0x1a: {  	s8 =	sadd.s32 $0xFFFFE003, lr  }
0x1b: {  	s9 =	sadd.s32 $0xFFFFFEF7, lr;
	s5 =	simm.s32 $0xFFFFFFFF;
	p2 =	slt.u32 s8, $0xFFFFF086  }
0x1c: {  	p1 =	slt.u32 s9, $0xF7A;
	s5 =	simm.s32 @!p2 $0x0  }
0x1d: {  	s5 =	simm.s32 @p1 $0x1;
	p0 =	seq.s32 s7, s2  }
0x1e: {  	s7 =	smul.u32 @!p0 $0xF7A, s2;
	p2 =	seq.s32 @!p0 s5, $0x0  }
0x1f: {  	s9 =	smul.u32 $0xF7A, s1;
	s8 =	simm.s32 @!p0 $0x1BF5;
	p2 =	por !p2, p0  }
0x20: {  	[sflag:s8] =	ssyncset.s32 @!p0 $0xFFFFF086;
	s6 =	sadd.s32 @!p0 s3, s7;
	s7 =	simm.s32 @!p0 $0x108  }
0x21: {  	s3 =	sadd.s32 s3, s9;
	s6 =	sadd.s32 @!p0 $0x88, s6;
	s7 =	simm.s32 @p2 $0x1082  }
0x22: {  	[simem:s7], [sflag:s8] =	dma.local @!p0 [hbm:s6], $0xF7A  }
0x23: {  	s9 =	sor.u32 $0xD0000000, s2;
	s6 =	simm.s32 $0x108;
	_ =	swait.ge @!p0 [sflag:s8], $0x0  }
0x24: {  	s3 =	sadd.s32 $0x88, s3;
	s6 =	simm.s32 @!p1 $0x1082;
	[sflag:s4] =	ssyncset.s32 $0xFFFFF086  }
0x25: {  	[simem:s6], [sflag:s4] =	dma.local [hbm:s3], $0xF7A  }
0x26: {  	[smem:$0x3F98] =	sst s1;
	(tag) =	ssettag s2;
	_ =	strace s9  }
0x27: {  	s1 =	sld [smem:$0x3FA8]  }
0x28: {  	s2 =	sld [smem:$0x3FA9]  }
0x29: {  	s4 =	sld [smem:$0x3FAB]  }
0x2a: {  	p0 =	seq.s32 s5, $0x0;
	s5 =	sld [smem:$0x3FAC]  }
0x2b: {  	s6 =	sld [smem:$0x3FAD]  }
0x2c: {  	s7 =	sld [smem:$0x3FAE]  }
0x2d: {  	s3 =	simm.s32 $0x108;
	s8 =	sld [smem:$0x3FAF]  }
0x2e: {  	s3 =	simm.s32 @!p0 $0x1082;
	s9 =	sld [smem:$0x3FB0]  }
0x2f: {  	lr =	sadd.s32 s0, s3;
	s0 =	sld [smem:$0x3FA7]  }
0x30: {  	s3 =	sld [smem:$0x3FAA]  }
0x31: {  	[smem:$0x3FB3] =	sst s10  }
0x32: {  	s10 =	sld [smem:$0x3FB1];
	_ =	sdelay $0x3  }
0x33: {  	p0 =	seq.s32 s10, $0x1;
	s10 =	sld [smem:$0x3FB3];
	_ =	sdelay $0x3  }
0x34: {  	[smem:$0x3FB3] =	sst s10  }
0x35: {  	s10 =	sld [smem:$0x3FB2];
	_ =	sdelay $0x3  }
0x36: {  	p1 =	seq.s32 s10, $0x1;
	s10 =	sld [smem:$0x3FB3];
	_ =	sdelay $0x3  }
0x37: {  	[smem:$0x3FB3] =	sst s10  }
0x38: {  	s10 =	sld [smem:$0x3FB4]  }
0x39: {  	_ = 	snop;
	(pc) =	sbr.ind lr, $3  }
0x3a: {  	_ = 	snop  }
0x3b: {  	_ = 	snop  }
0x3c: {  	p2 =	seq.s32 s10, $0x1;
	s10 =	sld [smem:$0x3FB3]  }
0x3d: {  	_ =	shalt  }
0x3e: {  	_ =	shalt  }
0x3f: {  	_ =	shalt  }
0x40: {  	_ =	shalt  }
0x41: {  	_ =	shalt  }
0x42: {  	_ =	shalt  }
0x43: {  	_ =	shalt  }
0x44: {  	_ =	shalt  }
0x45: {  	_ =	shalt  }
0x46: {  	_ =	shalt  }
0x47: {  	_ =	shalt  }
0x48: {  	_ =	shalt  }
0x49: {  	_ =	shalt  }
0x4a: {  	_ =	shalt  }
0x4b: {  	_ =	shalt  }
0x4c: {  	_ =	shalt  }
0x4d: {  	_ =	shalt  }
0x4e: {  	_ =	shalt  }
0x4f: {  	_ =	shalt  }
0x50: {  	_ =	shalt  }
0x51: {  	_ =	shalt  }
0x52: {  	_ =	shalt  }
0x53: {  	_ =	shalt  }
0x54: {  	_ =	shalt  }
0x55: {  	_ =	shalt  }
0x56: {  	_ =	shalt  }
0x57: {  	_ =	shalt  }
0x58: {  	_ =	shalt  }
0x59: {  	_ =	shalt  }
0x5a: {  	_ =	shalt  }
0x5b: {  	_ =	shalt  }
0x5c: {  	_ =	shalt  }
0x5d: {  	_ =	shalt  }
0x5e: {  	_ =	shalt  }
0x5f: {  	_ =	shalt  }
0x60: {  	_ =	shalt  }
0x61: {  	_ =	shalt  }
0x62: {  	_ =	shalt  }
0x63: {  	_ =	shalt  }
0x64: {  	_ =	shalt  }
0x65: {  	_ =	shalt  }
0x66: {  	_ =	shalt  }
0x67: {  	_ =	shalt  }
0x68: {  	_ =	shalt  }
0x69: {  	_ =	shalt  }
0x6a: {  	_ =	shalt  }
0x6b: {  	_ =	shalt  }
0x6c: {  	_ =	shalt  }
0x6d: {  	_ =	shalt  }
0x6e: {  	_ =	shalt  }
0x6f: {  	_ =	shalt  }
0x70: {  	_ =	shalt  }
0x71: {  	_ =	shalt  }
0x72: {  	_ =	shalt  }
0x73: {  	_ =	shalt  }
0x74: {  	_ =	shalt  }
0x75: {  	_ =	shalt  }
0x76: {  	_ =	shalt  }
0x77: {  	_ =	shalt  }
0x78: {  	_ =	shalt  }
0x79: {  	_ =	shalt  }
0x7a: {  	_ =	shalt  }
0x7b: {  	_ =	shalt  }
0x7c: {  	_ =	shalt  }
0x7d: {  	_ =	shalt  }
0x7e: {  	_ =	shalt  }
0x7f: {  	_ =	shalt  }
0x80: {  	_ =	shalt  }
0x81: {  	_ =	shalt  }
0x82: {  	_ =	shalt  }
0x83: {  	_ =	shalt  }
0x84: {  	_ =	shalt  }
0x85: {  	_ =	shalt  }
0x86: {  	_ =	shalt  }
0x87: {  	_ =	shalt  }
.Lfunc_end0:
.L_simem_size_0:
called_computation.1_lowered:
.L_overlay_start_0:
0x88: {  	s2 =	sld [smem:$0x3FD9]  }
0x89: {  	s3 =	sld [smem:$0x3FFE];
	_ =	sdelay $0x1  }
0x8a: {  	s1 =	srdreg.scid  }
0x8b: {  	s0 =	sand.u32 $0x1, s1  }
0x8c: {  	s17 =	sshll.u32 s0, $0xA;
	s2 =	sadd.s32 s3, s2  }
0x8d: {  	s2 =	sadd.s32 s2, s17  }
0x8e: {  	[smem:$0x3FBF] =	sst s2  }
0x8f: {  	_ = 	snop  }
0x90: {  	s2 =	sld [smem:$0x3FD0];
	(tm) =	ssettm $0x1  }
0x91: {  	s18 =	sld [smem:$0x3FFB];
	_ =	sdelay $0x3  }
0x92: {  	_ =	strace s18  }
0x93: {  	s3 =	sld [smem:$0x3FFC];
	_ =	sdelay $0x3  }
0x94: {  	_ =	strace s3  }
0x95: {  	s3 =	sld [smem:$0x3FFD];
	_ =	sdelay $0x3  }
0x96: {  	_ =	strace s3  }
0x97: {  	_ =	strace $0x8FFFFFFF  }
0x98: {  	s19 =	sld [smem:$0x3FDB];
	_ =	sdelay $0x1  }
0x99: {  	s4 =	simm.s32 $_scs_section_size  }
0x9a: {  	s5 =	simm.s32 $_size__tile_overlayer_lowered;
	s6 =	simm.s32 $_tile_overlayer_lowered  }
0x9b: {  	s22 =	simm.s32 $0x1BFF;
	s21 =	sshll.u32 s6, $0x1;
	s3 =	sadd.s32 s4, s19  }
0x9c: {  	s7 =	simm.s32 $0x0;
	s20 =	sshll.u32 s5, $0x1;
	s5 =	sadd.s32 s21, s3  }
0x9d: {  	[timem:s7], [sflag:s22] =	dma.local [hbm:s5], s20  }
0x9e: {  	_ =	swait.ge [sflag:s22], s20  }
0x9f: {  	s4 =	ssub.s32 $0x0, s20;
	[sflag:s22] =	ssyncset.done $0x0  }
0xa0: {  	[sflag:s22] =	ssyncadd.s32 s4;
	_ =	sdelay $0x1  }
0xa1: {  	s23 =	simm.s32 $0x1B8B  }
0xa2: {  	_ =	swait.ge [sflag:s23], $0x1  }
0xa3: {  	[sflag:s23] =	ssyncset.done $0x0  }
0xa4: {  	s25 =	simm.s32 $0x1B8E;
	s24 =	sld [smem:$0x3FFE];
	[sflag:s23] =	ssyncadd.s32 $0xFFFFFFFF  }
0xa5: {  	s26 =	simm.s32 $execute0_lowered;
	[smem:$0x3FD2] =	sst s25  }
0xa6: {  	s5 =	sshll.u32 s26, $0x1;
	_ =	strace $0x80000049;
	[dreg:$0x1] =	wrdreg $0xFFFFFFFF  }
0xa7: {  	s28 =	simm.s32 $_size_execute0_lowered;
	s3 =	sadd.s32 s3, s5;
	[dreg:$0x0] =	wrdreg $0x0  }
0xa8: {  	s5 =	sshll.u32 s28, $0x1;
	[dreg:$0x2] =	wrdreg s3  }
0xa9: {  	[dreg:$0x3] =	wrdreg s5  }
0xaa: {  	[dreg:$0x4] =	wrdreg $0xC0  }
0xab: {  	_ =	task [dreg:s7], $0x5FFFF  }
0xac: {  	[dreg:$0x1] =	wrdreg $0xFFFFFFFF  }
0xad: {  	[dreg:$0x0] =	wrdreg $0x60  }
0xae: {  	[dreg:$0x2] =	wrdreg s24  }
0xaf: {  	[dreg:$0x3] =	wrdreg s2  }
0xb0: {  	[dreg:$0x4] =	wrdreg $0xA8000  }
0xb1: {  	[dreg:$0x5] =	wrdreg $0x9  }
0xb2: {  	_ =	task.clear_ibuf [dreg:s7], $0x6FFFF;
	_ =	strace $0x90000049  }
0xb3: {  	s29 =	simm.s32 $0x9;
	_ =	strace $0x8000004B  }
0xb4: {  	_ =	swait.ge [sflag:s29], $0x1  }
0xb5: {  	[sflag:s29] =	ssyncadd.s32 $0xFFFFFFFF  }
0xb6: {  	_ =	strace $0x9000004B  }
0xb7: {  	_ =	sfence  }
0xb8: {  	s30 =	sld [smem:$0x0];
	_ =	sdelay $0x2  }
0xb9: {  	s31 =	sshll.u32 s1, $0xD;
	s1 =	sshrl.u32 s1, $0x2  }
0xba: {  	s3 =	sand.u32 $0x4000, s31;
	s1 =	sadd.s32 s1, s30  }
0xbb: {  	s0 =	sor.u32 s3, s0;
	s1 =	sshll.u32 s1, $0x11  }
0xbc: {  	s0 =	sor.u32 s1, s0  }
0xbd: {  	s0 =	sadd.s32 $0x8F2B, s0  }
0xbe: {  	[sflag:s0] =	ssyncadd.remote.s32 $0x1  }
0xbf: {  	_ =	sfence.sel $0xFFFF  }
0xc0: {  	[dreg:$0x0] =	wrdreg $0xFFFFFFFF;
	(pc) =	sbr.abs _section_cstart, $3  }
0xc1: {  	[dreg:$0x1] =	wrdreg $0xFFFFFFFF  }
0xc2: {  	_ =	task.clear_ibuf [dreg:s7], $0x2FFFF;
	_ =	strace $0x9FFFFFFF  }
0xc3: {  	(tm) =	ssettm $0x7FFFFFFF  }
tec
execute0_lowered:
.L_overlay_start_1:
0x0: {  	(tag) =	ssettag $0x1  }
0x1: {  	s0 =	rddreg [dreg:$0x0]  }
0x2: {  	s1 =	rddreg [dreg:$0x1]  }
0x3: {  	s2 =	rddreg [dreg:$0x2]  }
0x4: {  	s3 =	simm.s32 $0x0;
	s4 =	srdreg.scid;
	s12 =	stileid.u32  }
0x5: {  	s28 =	simm.s32 $0x80;
	s29 =	simm.s32 $0x6800;
	s30 =	simm.s32 $0x1  }
0x6: {  	s31 =	simm.s32 $0x2;
	[smem:$0x7FF] =	sst s3;
	s5 =	sand.u32 $0x1, s4  }
0x7: {  	s18 =	sshll.u32 s12, $0x1;
	s7 =	smul.u32 $0x50000, s12;
	s4 =	sadd.s32 $0xC800, s0  }
0x8: {  	s10 =	sadd.s32 $0x2800, s0;
	s0 =	sadd.s32 $0x145000, s0;
	s13 =	smul.u32 $0x280, s12  }
0x9: {  	s6 =	sor.u32 s5, s18;
	s8 =	ssub.s32 $0x2, s5;
	s14 =	smul.u32 $0x2800, s5  }
0xa: {  	_ =	strace $0x8000004A;
	s9 =	smul.u32 $0x500, s6;
	s11 =	sshrl.u32 s8, $0x1  }
0xb: {  	s6 =	smul.u32 $0x2800, s6;
	s7 =	sshrl.u32 s7, $0x2;
	s22 =	sadd.s32 $0x80, s13  }
0xc: {  	s24 =	sadd.s32 $0x100, s13;
	s16 =	sadd.s32 $0x180, s13;
	s15 =	ssub.s32 s8, s11  }
0xd: {  	s5 =	sadd.s32 s7, s2;
	s21 =	sadd.s32 s13, s14;
	s23 =	sshll.u32 s22, $0x7  }
0xe: {  	s25 =	sshll.u32 s24, $0x7;
	s7 =	sadd.s32 s14, s24;
	s26 =	sshll.u32 s16, $0x7  }
0xf: {  	s13 =	sadd.s32 $0x200, s13;
	s16 =	sadd.s32 s14, s16;
	s6 =	sshrl.u32 s6, $0x3  }
0x10: {  	s19 =	sadd.s32 s1, s9;
	s20 =	sadd.s32 s10, s9;
	s7 =	sshll.u32 s7, $0x4  }
0x11: {  	s16 =	sshll.u32 s16, $0x4;
	s17 =	sshll.u32 s13, $0x7;
	s15 =	smax.u32 s15, $0x1  }
0x12: {  	s18 =	sadd.s32 $0xC000, s5;
	[dreg:$0x4] =	wrdreg s19;
	s6 =	sadd.s32 $0x280, s6  }
0x13: {  	[dreg:$0x5] =	wrdreg s20;
	s12 =	sadd.s32 s0, s7;
	s7 =	sadd.s32 s26, s2  }
0x14: {  	s19 =	sadd.s32 $0x10000, s5;
	s20 =	simm.s32 $0x2800;
	s26 =	simm.s32 $0x1400  }
0x15: {  	s1 =	sadd.s32 s1, s6;
	s9 =	sadd.s32 s10, s6;
	s6 =	sadd.s32 s14, s22  }
0x16: {  	s14 =	sadd.s32 s14, s13;
	s13 =	sadd.s32 s0, s16;
	s16 =	sadd.s32 $0x4000, s5  }
0x17: {  	s24 =	sshrl.u32 s7, $0x3;
	[dreg:$0x6] =	wrdreg s1;
	s1 =	sshll.u32 s21, $0x4  }
0x18: {  	s6 =	sshll.u32 s6, $0x4;
	s14 =	sshll.u32 s14, $0x4;
	s21 =	simm.s32 $0x3  }
0x19: {  	s10 =	sadd.s32 s0, s1;
	s1 =	sadd.s32 s23, s2;
	s11 =	sadd.s32 s0, s6  }
0x1a: {  	s6 =	sadd.s32 s25, s2;
	s25 =	sadd.s32 s17, s2;
	s14 =	sadd.s32 s0, s14  }
0x1b: {  	s17 =	sadd.s32 $0x8000, s5;
	s0 =	simm.s32 $0x2700;
	s22 =	sshrl.u32 s1, $0x3  }
0x1c: {  	v0 =	vimm.f32 $0.0e+00;
	s23 =	sshrl.u32 s6, $0x3;
	s25 =	sshrl.u32 s25, $0x3;
	s1 =	simm.s32 $0x2780  }
.LBB2_1:
0x1d: {  	s6 =	simm.s32 $0x0;
	s7 =	simm.s32 $0x200  }
.LBB2_2:
0x1e: {  	p0 =	sne.s32 s7, $0xFE00;
	[tilespmem:s6+$0x2870] =	vst v0  }
0x1f: {  	[tilespmem:s6+$0x2800] =	vst v0  }
0x20: {  	[tilespmem:s6+$0x2810] =	vst v0  }
.Ltmp0:
0x21: {  	[tilespmem:s6+$0x2820] =	vst v0;
	(pc) =	sbr.rel @p0 .LBB2_2-.Ltmp0, $4  }
0x22: {  	[tilespmem:s6+$0x2830] =	vst v0  }
0x23: {  	[tilespmem:s6+$0x2840] =	vst v0  }
0x24: {  	[tilespmem:s6+$0x2850] =	vst v0  }
0x25: {  	[tilespmem:s6+$0x2860] =	vst v0;
	s6 =	sshra.s32 s7, $0x2;
	s7 =	sadd.s32 $0x200, s7  }
0x26: {  	[tilespmem:s6+$0x2870] =	vst v0  }
0x27: {  	[tilespmem:s6+$0x2800] =	vst v0  }
0x28: {  	[tilespmem:s6+$0x2810] =	vst v0  }
0x29: {  	[tilespmem:s6+$0x2820] =	vst v0  }
0x2a: {  	[tilespmem:s6+$0x2830] =	vst v0  }
0x2b: {  	[tilespmem:s6+$0x2840] =	vst v0  }
0x2c: {  	[tilespmem:s6+$0x2850] =	vst v0  }
0x2d: {  	[tilespmem:s6+$0x2860] =	vst v0  }
0x2e: {  	[spmem:s5] =	stream.linear.scatter [tilespmem:s20], [sflag:$0x3], $0x4000, $0x38;
	[tilespmem:$0x1E800] =	vst v63  }
0x2f: {  	_ =	swait.ge [sflag:s21], $0x4000  }
0x30: {  	[sflag:s21] =	ssyncset.done $0x0  }
0x31: {  	[sflag:s21] =	ssyncadd.s32 $0xFFFFC000  }
0x32: {  	[spmem:s16] =	stream.linear.scatter [tilespmem:s20], [sflag:$0x3], $0x4000, $0x38;
	[tilespmem:$0x1E800] =	vst v63  }
0x33: {  	_ =	swait.ge [sflag:s21], $0x4000  }
0x34: {  	[sflag:s21] =	ssyncset.done $0x0  }
0x35: {  	[sflag:s21] =	ssyncadd.s32 $0xFFFFC000  }
0x36: {  	[spmem:s17] =	stream.linear.scatter [tilespmem:s20], [sflag:$0x3], $0x4000, $0x38;
	[tilespmem:$0x1E800] =	vst v63  }
0x37: {  	_ =	swait.ge [sflag:s21], $0x4000  }
0x38: {  	[sflag:s21] =	ssyncset.done $0x0  }
0x39: {  	[sflag:s21] =	ssyncadd.s32 $0xFFFFC000  }
0x3a: {  	[spmem:s18] =	stream.linear.scatter [tilespmem:s20], [sflag:$0x3], $0x4000, $0x38;
	[tilespmem:$0x1E800] =	vst v63  }
0x3b: {  	_ =	swait.ge [sflag:s21], $0x4000  }
0x3c: {  	[sflag:s21] =	ssyncset.done $0x0  }
0x3d: {  	[sflag:s21] =	ssyncadd.s32 $0xFFFFC000  }
0x3e: {  	[spmem:s19] =	stream.linear.scatter [tilespmem:s20], [sflag:$0x3], $0x4000, $0x38;
	[tilespmem:$0x1E800] =	vst v63  }
0x3f: {  	_ =	swait.ge [sflag:s21], $0x4000  }
0x40: {  	[sflag:s21] =	ssyncset.done $0x0  }
0x41: {  	[sflag:s21] =	ssyncadd.s32 $0xFFFFC000  }
0x42: {  	[bflag:$0x0] =	sbarrier.arrive $0xFFFF  }
0x43: {  	s6 =	simm.s32 $0x0;
	s7 =	rddreg [dreg:$0x4]  }
0x44: {  	[tilespmem:s6], [sflag:$0x3] =	stream.linear.gather [hbm4b:s7+s6], $0x1400, $0x38;
	[tilespmem:$0x1E800] =	vst v63  }
0x45: {  	_ =	swait.ge [sflag:s21], $0x1400  }
0x46: {  	[sflag:s21] =	ssyncset.done $0x0  }
0x47: {  	s8 =	rddreg [dreg:$0x5];
	[sflag:s21] =	ssyncadd.s32 $0xFFFFEC00  }
0x48: {  	[tilespmem:s26], [sflag:$0x3] =	stream.linear.gather [hbm4b:s8+s6], $0x1400, $0x38;
	[tilespmem:$0x1E800] =	vst v63  }
0x49: {  	_ =	swait.ge [sflag:s21], $0x1400  }
0x4a: {  	[sflag:s21] =	ssyncset.done $0x0  }
0x4b: {  	[sflag:s21] =	ssyncadd.s32 $0xFFFFEC00  }
0x4c: {  	[tilespmem:s20], [sflag:$0x1] =	stream.indirect.gather [hbm4b:s4+s28], $0x80, s6, s28, $0xb8;
	[tilespmem:$0x1E800] =	vst v63  }
0x4d: {  	_ = 	snop  }
0x4e: {  	[tilespmem:s29], [sflag:$0x2] =	stream.indirect.gather [hbm4b:s4+s28], $0x80, s28, s28, $0xb8;
	[tilespmem:$0x1E800] =	vst v63  }
0x4f: {  	_ =	swait.ge [sflag:s30], $0x4000  }
0x50: {  	[sflag:s30] =	ssyncset.done $0x0  }
0x51: {  	s8 =	simm.s32 $0x1400;
	[sflag:s30] =	ssyncadd.s32 $0xFFFFC000  }
0x52: {  	[spmem:s2] =	stream.indirect.scatter.add.f32 [tilespmem:s20], [sflag:$0x3], $0x80, s8, s28, $0xb8;
	[tilespmem:$0x1E800] =	vst v63  }
0x53: {  	_ =	swait.ge [sflag:s21], $0x4000  }
0x54: {  	[sflag:s21] =	ssyncset.done $0x0  }
0x55: {  	s7 =	simm.s32 $0x100;
	[sflag:s21] =	ssyncadd.s32 $0xFFFFC000  }
0x56: {  	[tilespmem:s20], [sflag:$0x1] =	stream.indirect.gather [hbm4b:s4+s28], $0x80, s7, s28, $0xb8;
	[tilespmem:$0x1E800] =	vst v63  }
0x57: {  	_ =	swait.ge [sflag:s31], $0x4000  }
0x58: {  	[sflag:s31] =	ssyncset.done $0x0  }
0x59: {  	s8 =	simm.s32 $0x1480;
	[sflag:s31] =	ssyncadd.s32 $0xFFFFC000  }
0x5a: {  	[spmem:s2] =	stream.indirect.scatter.add.f32 [tilespmem:s29], [sflag:$0x3], $0x80, s8, s28, $0xb8;
	[tilespmem:$0x1E800] =	vst v63  }
0x5b: {  	_ =	swait.ge [sflag:s21], $0x4000  }
0x5c: {  	[sflag:s21] =	ssyncset.done $0x0  }
0x5d: {  	s6 =	simm.s32 $0x400;
	s7 =	simm.s32 $0x180;
	[sflag:s21] =	ssyncadd.s32 $0xFFFFC000  }
.LBB2_4:
0x5e: {  	[tilespmem:s29], [sflag:$0x2] =	stream.indirect.gather [hbm4b:s4+s28], $0x80, s7, s28, $0xb8;
	[tilespmem:$0x1E800] =	vst v63  }
0x5f: {  	s7 =	smov.u32 s6  }
0x60: {  	p0 =	sne.s32 s6, $0x4800;
	s6 =	sadd.s32 $0x400, s6;
	_ =	swait.ge [sflag:s30], $0x4000  }
0x61: {  	s7 =	sshra.s32 s7, $0x2;
	[sflag:s30] =	ssyncset.done $0x0  }
0x62: {  	s8 =	sadd.s32 $0x1400, s7;
	[sflag:s30] =	ssyncadd.s32 $0xFFFFC000  }
0x63: {  	[spmem:s2] =	stream.indirect.scatter.add.f32 [tilespmem:s20], [sflag:$0x3], $0x80, s8, s28, $0xb8;
	[tilespmem:$0x1E800] =	vst v63  }
0x64: {  	_ =	swait.ge [sflag:s21], $0x4000  }
0x65: {  	[sflag:s21] =	ssyncset.done $0x0  }
0x66: {  	s8 =	sadd.s32 $0x100, s7;
	[sflag:s21] =	ssyncadd.s32 $0xFFFFC000  }
0x67: {  	[tilespmem:s20], [sflag:$0x1] =	stream.indirect.gather [hbm4b:s4+s28], $0x80, s8, s28, $0xb8;
	[tilespmem:$0x1E800] =	vst v63  }
0x68: {  	_ =	swait.ge [sflag:s31], $0x4000  }
0x69: {  	[sflag:s31] =	ssyncset.done $0x0  }
.Ltmp1:
0x6a: {  	s8 =	sadd.s32 $0x1480, s7;
	[sflag:s31] =	ssyncadd.s32 $0xFFFFC000;
	(pc) =	sbr.rel @p0 .LBB2_4-.Ltmp1, $4  }
0x6b: {  	[spmem:s2] =	stream.indirect.scatter.add.f32 [tilespmem:s29], [sflag:$0x3], $0x80, s8, s28, $0xb8;
	[tilespmem:$0x1E800] =	vst v63  }
0x6c: {  	_ =	swait.ge [sflag:s21], $0x4000  }
0x6d: {  	[sflag:s21] =	ssyncset.done $0x0  }
0x6e: {  	s7 =	sadd.s32 $0x180, s7;
	[sflag:s21] =	ssyncadd.s32 $0xFFFFC000  }
0x6f: {  	[tilespmem:s29], [sflag:$0x2] =	stream.indirect.gather [hbm4b:s4+s28], $0x80, s7, s28, $0xb8;
	[tilespmem:$0x1E800] =	vst v63  }
0x70: {  	_ =	swait.ge [sflag:s30], $0x4000  }
0x71: {  	[sflag:s30] =	ssyncset.done $0x0  }
0x72: {  	[sflag:s30] =	ssyncadd.s32 $0xFFFFC000  }
0x73: {  	[spmem:s2] =	stream.indirect.scatter.add.f32 [tilespmem:s20], [sflag:$0x3], $0x80, s0, s28, $0xb8;
	[tilespmem:$0x1E800] =	vst v63  }
0x74: {  	_ =	swait.ge [sflag:s21], $0x4000  }
0x75: {  	[sflag:s21] =	ssyncset.done $0x0  }
0x76: {  	[sflag:s21] =	ssyncadd.s32 $0xFFFFC000  }
0x77: {  	_ =	swait.ge [sflag:s31], $0x4000  }
0x78: {  	[sflag:s31] =	ssyncset.done $0x0  }
0x79: {  	[sflag:s31] =	ssyncadd.s32 $0xFFFFC000  }
0x7a: {  	[spmem:s2] =	stream.indirect.scatter.add.f32 [tilespmem:s29], [sflag:$0x3], $0x80, s1, s28, $0xb8;
	[tilespmem:$0x1E800] =	vst v63  }
0x7b: {  	_ =	swait.ge [sflag:s21], $0x4000  }
0x7c: {  	[sflag:s21] =	ssyncset.done $0x0  }
0x7d: {  	s6 =	simm.s32 $0x0;
	s8 =	rddreg [dreg:$0x6];
	[sflag:s21] =	ssyncadd.s32 $0xFFFFC000  }
0x7e: {  	[tilespmem:s6], [sflag:$0x3] =	stream.linear.gather [hbm4b:s8+s6], $0x1400, $0x38;
	[tilespmem:$0x1E800] =	vst v63  }
0x7f: {  	_ =	swait.ge [sflag:s21], $0x1400  }
0x80: {  	[sflag:s21] =	ssyncset.done $0x0  }
0x81: {  	[sflag:s21] =	ssyncadd.s32 $0xFFFFEC00  }
0x82: {  	[tilespmem:s26], [sflag:$0x3] =	stream.linear.gather [hbm4b:s9+s6], $0x1400, $0x38;
	[tilespmem:$0x1E800] =	vst v63  }
0x83: {  	_ =	swait.ge [sflag:s21], $0x1400  }
0x84: {  	[sflag:s21] =	ssyncset.done $0x0  }
0x85: {  	[sflag:s21] =	ssyncadd.s32 $0xFFFFEC00  }
0x86: {  	[tilespmem:s20], [sflag:$0x1] =	stream.indirect.gather [hbm4b:s4+s28], $0x80, s6, s28, $0xb8;
	[tilespmem:$0x1E800] =	vst v63  }
0x87: {  	_ = 	snop  }
0x88: {  	[tilespmem:s29], [sflag:$0x2] =	stream.indirect.gather [hbm4b:s4+s28], $0x80, s28, s28, $0xb8;
	[tilespmem:$0x1E800] =	vst v63  }
0x89: {  	_ =	swait.ge [sflag:s30], $0x4000  }
0x8a: {  	[sflag:s30] =	ssyncset.done $0x0  }
0x8b: {  	s8 =	simm.s32 $0x1400;
	[sflag:s30] =	ssyncadd.s32 $0xFFFFC000  }
0x8c: {  	[spmem:s2] =	stream.indirect.scatter.add.f32 [tilespmem:s20], [sflag:$0x3], $0x80, s8, s28, $0xb8;
	[tilespmem:$0x1E800] =	vst v63  }
0x8d: {  	_ =	swait.ge [sflag:s21], $0x4000  }
0x8e: {  	[sflag:s21] =	ssyncset.done $0x0  }
0x8f: {  	s7 =	simm.s32 $0x100;
	[sflag:s21] =	ssyncadd.s32 $0xFFFFC000  }
0x90: {  	[tilespmem:s20], [sflag:$0x1] =	stream.indirect.gather [hbm4b:s4+s28], $0x80, s7, s28, $0xb8;
	[tilespmem:$0x1E800] =	vst v63  }
0x91: {  	_ =	swait.ge [sflag:s31], $0x4000  }
0x92: {  	[sflag:s31] =	ssyncset.done $0x0  }
0x93: {  	s8 =	simm.s32 $0x1480;
	[sflag:s31] =	ssyncadd.s32 $0xFFFFC000  }
0x94: {  	[spmem:s2] =	stream.indirect.scatter.add.f32 [tilespmem:s29], [sflag:$0x3], $0x80, s8, s28, $0xb8;
	[tilespmem:$0x1E800] =	vst v63  }
0x95: {  	_ =	swait.ge [sflag:s21], $0x4000  }
0x96: {  	[sflag:s21] =	ssyncset.done $0x0  }
0x97: {  	s6 =	simm.s32 $0x400;
	s7 =	simm.s32 $0x180;
	[sflag:s21] =	ssyncadd.s32 $0xFFFFC000  }
.LBB2_6:
0x98: {  	[tilespmem:s29], [sflag:$0x2] =	stream.indirect.gather [hbm4b:s4+s28], $0x80, s7, s28, $0xb8;
	[tilespmem:$0x1E800] =	vst v63  }
0x99: {  	s7 =	smov.u32 s6  }
0x9a: {  	p0 =	sne.s32 s6, $0x4800;
	s6 =	sadd.s32 $0x400, s6;
	_ =	swait.ge [sflag:s30], $0x4000  }
0x9b: {  	s7 =	sshra.s32 s7, $0x2;
	[sflag:s30] =	ssyncset.done $0x0  }
0x9c: {  	s8 =	sadd.s32 $0x1400, s7;
	[sflag:s30] =	ssyncadd.s32 $0xFFFFC000  }
0x9d: {  	[spmem:s2] =	stream.indirect.scatter.add.f32 [tilespmem:s20], [sflag:$0x3], $0x80, s8, s28, $0xb8;
	[tilespmem:$0x1E800] =	vst v63  }
0x9e: {  	_ =	swait.ge [sflag:s21], $0x4000  }
0x9f: {  	[sflag:s21] =	ssyncset.done $0x0  }
0xa0: {  	s8 =	sadd.s32 $0x100, s7;
	[sflag:s21] =	ssyncadd.s32 $0xFFFFC000  }
0xa1: {  	[tilespmem:s20], [sflag:$0x1] =	stream.indirect.gather [hbm4b:s4+s28], $0x80, s8, s28, $0xb8;
	[tilespmem:$0x1E800] =	vst v63  }
0xa2: {  	_ =	swait.ge [sflag:s31], $0x4000  }
0xa3: {  	[sflag:s31] =	ssyncset.done $0x0  }
.Ltmp2:
0xa4: {  	s8 =	sadd.s32 $0x1480, s7;
	[sflag:s31] =	ssyncadd.s32 $0xFFFFC000;
	(pc) =	sbr.rel @p0 .LBB2_6-.Ltmp2, $4  }
0xa5: {  	[spmem:s2] =	stream.indirect.scatter.add.f32 [tilespmem:s29], [sflag:$0x3], $0x80, s8, s28, $0xb8;
	[tilespmem:$0x1E800] =	vst v63  }
0xa6: {  	_ =	swait.ge [sflag:s21], $0x4000  }
0xa7: {  	[sflag:s21] =	ssyncset.done $0x0  }
0xa8: {  	s7 =	sadd.s32 $0x180, s7;
	[sflag:s21] =	ssyncadd.s32 $0xFFFFC000  }
0xa9: {  	[tilespmem:s29], [sflag:$0x2] =	stream.indirect.gather [hbm4b:s4+s28], $0x80, s7, s28, $0xb8;
	[tilespmem:$0x1E800] =	vst v63  }
0xaa: {  	_ =	swait.ge [sflag:s30], $0x4000  }
0xab: {  	[sflag:s30] =	ssyncset.done $0x0  }
0xac: {  	[sflag:s30] =	ssyncadd.s32 $0xFFFFC000  }
0xad: {  	[spmem:s2] =	stream.indirect.scatter.add.f32 [tilespmem:s20], [sflag:$0x3], $0x80, s0, s28, $0xb8;
	[tilespmem:$0x1E800] =	vst v63  }
0xae: {  	_ =	swait.ge [sflag:s21], $0x4000  }
0xaf: {  	[sflag:s21] =	ssyncset.done $0x0  }
0xb0: {  	[sflag:s21] =	ssyncadd.s32 $0xFFFFC000  }
0xb1: {  	_ =	swait.ge [sflag:s31], $0x4000  }
0xb2: {  	[sflag:s31] =	ssyncset.done $0x0  }
0xb3: {  	[sflag:s31] =	ssyncadd.s32 $0xFFFFC000  }
0xb4: {  	[spmem:s2] =	stream.indirect.scatter.add.f32 [tilespmem:s29], [sflag:$0x3], $0x80, s1, s28, $0xb8;
	[tilespmem:$0x1E800] =	vst v63  }
0xb5: {  	_ =	swait.ge [sflag:s21], $0x4000  }
0xb6: {  	s6 =	stileid.u32;
	[sflag:s21] =	ssyncset.done $0x0  }
0xb7: {  	s6 =	sshll.u32 s6, $0x6;
	[sflag:s21] =	ssyncadd.s32 $0xFFFFC000  }
0xb8: {  	s8 =	sshrl.u32 s5, $0x3;
	s6 =	sor.u32 $0x1C01, s6;
	[bflag:$0x0] =	sbarrier.arrive $0xFFFF  }
0xb9: {  	[hbm:s10], [sflag:s6] =	dma.local [spmem:s8], $0x800  }
0xba: {  	[hbm:s11], [sflag:s6] =	dma.local [spmem:s22], $0x800  }
0xbb: {  	[hbm:s12], [sflag:s6] =	dma.local [spmem:s23], $0x800  }
0xbc: {  	[hbm:s13], [sflag:s6] =	dma.local [spmem:s24], $0x800  }
0xbd: {  	[hbm:s14], [sflag:s6] =	dma.local [spmem:s25], $0x800  }
0xbe: {  	_ =	swait.ge [sflag:s30], $0x800  }
0xbf: {  	[sflag:s30] =	ssyncset.done $0x0  }
0xc0: {  	[sflag:s30] =	ssyncadd.s32 $0xFFFFF800  }
0xc1: {  	_ =	swait.ge [sflag:s30], $0x800  }
0xc2: {  	[sflag:s30] =	ssyncset.done $0x0  }
0xc3: {  	[sflag:s30] =	ssyncadd.s32 $0xFFFFF800  }
0xc4: {  	_ =	swait.ge [sflag:s30], $0x800  }
0xc5: {  	[sflag:s30] =	ssyncset.done $0x0  }
0xc6: {  	s3 =	sadd.s32 $0x1, s3;
	[sflag:s30] =	ssyncadd.s32 $0xFFFFF800  }
0xc7: {  	p0 =	sne.s32 s3, s15;
	_ =	swait.ge [sflag:s30], $0x800  }
.Ltmp3:
0xc8: {  	[sflag:s30] =	ssyncset.done $0x0;
	(pc) =	sbr.rel @p0 .LBB2_1-.Ltmp3, $4  }
0xc9: {  	[sflag:s30] =	ssyncadd.s32 $0xFFFFF800  }
0xca: {  	_ =	swait.ge [sflag:s30], $0x800  }
0xcb: {  	[sflag:s30] =	ssyncset.done $0x0  }
0xcc: {  	[sflag:s30] =	ssyncadd.s32 $0xFFFFF800  }
0xcd: {  	_ =	sfence.sel $0x180000  }
0xce: {  	[bflag:$0x0] =	sbarrier.arrive $0xFFFF  }
0xcf: {  	_ =	strace $0x9000004A  }
0xd0: {  	s0 =	stileid.u32;
	[bflag:$0x2] =	sbarrier.arrive $0xFFFF  }
0xd1: {  	p0 =	sne.s32 s0, $0x0;
	s0 =	rddreg [dreg:$0x3]  }
0xd2: {  	s0 =	sadd.s32 @!p0 $0x100000, s0  }
0xd3: {  	[sflag:s0] =	ssyncadd.tile.s32 @!p0 $0x1;
	_ =	shalt  }
.Lfunc_end2:
_tile_overlayer_lowered:
.L_overlay_start_2:
0xd4: {  	(tag) =	ssettag $0x2  }
0xd5: {  	s0 =	rddreg [dreg:$0x0];
	s2 =	stileid.u32  }
0xd6: {  	s1 =	rddreg [dreg:$0x1];
	p0 =	sne.s32 s2, $0x0  }
0xd7: {  	s3 =	rddreg [dreg:$0x2];
	[bflag:$0x3] =	sbarrier.arrive $0xFFFF;
	s2 =	simm.s32 @!p0 $0x1C03  }
0xd8: {  	[timem:s3], [sflag:s2] =	dma.local @!p0 [hbm:s0], s1  }
0xd9: {  	s0 =	simm.s32 @!p0 $0x3  }
0xda: {  	_ =	swait.ge @!p0 [sflag:s0], s1  }
0xdb: {  	s1 =	ssub.s32 @!p0 $0x0, s1;
	[sflag:s0] =	ssyncset.done @!p0 $0x0  }
0xdc: {  	[sflag:s0] =	ssyncadd.s32 @!p0 s1  }
0xdd: {  	[bflag:$0x3] =	sbarrier.arrive $0xFFFF  }
0xde: {  	_ =	shalt  }

// kernel: kernel.8.cloned.1.call-start
scs
__scs_entry_jumppad:
0x0: {  	(pc) =	sbr.rel $0x88, $3  }
0x1: {  	(tag) =	ssettag $0x0;
	lr =	simm.s32 $0x1  }
0x2: {  	[smem:$0x3F98] =	sst lr;
	_ =	strace $0xD0000000  }
0x3: {  	_ = 	snop  }
0x4: {  	_ = 	snop  }
0x5: {  	_ = 	snop  }
0x6: {  	_ = 	snop  }
0x7: {  	_ = 	snop  }
__scs_overlays_trampoline_lowered:
0x8: {  	[smem:$0x3FA7] =	sst s0  }
0x9: {  	[smem:$0x3FA8] =	sst s1  }
0xa: {  	[smem:$0x3FA9] =	sst s2  }
0xb: {  	[smem:$0x3FAA] =	sst s3  }
0xc: {  	[smem:$0x3FAB] =	sst s4  }
0xd: {  	[smem:$0x3FAC] =	sst s5  }
0xe: {  	[smem:$0x3FAD] =	sst s6  }
0xf: {  	[smem:$0x3FAE] =	sst s7  }
0x10: {  	[smem:$0x3FAF] =	sst s8  }
0x11: {  	[smem:$0x3FB0] =	sst s9;
	s0 =	simm.s32 @!p0 $0x0  }
0x12: {  	s1 =	sld [smem:$0x3F96];
	s0 =	simm.s32 @p0 $0x1  }
0x13: {  	[smem:$0x3FB1] =	sst s0;
	s0 =	simm.s32 @!p1 $0x0  }
0x14: {  	s2 =	sld [smem:$0x3F95];
	s0 =	simm.s32 @p1 $0x1  }
0x15: {  	[smem:$0x3FB2] =	sst s0;
	s0 =	simm.s32 @!p2 $0x0  }
0x16: {  	s3 =	sld [smem:$0x3FDB];
	s0 =	simm.s32 @p2 $0x1  }
0x17: {  	s4 =	simm.s32 $0x1BF5;
	[smem:$0x3FB4] =	sst s0  }
0x18: {  	s0 =	sld [smem:$0x3F97];
	_ =	swait.ge [sflag:s4], $0x0  }
0x19: {  	s7 =	sld [smem:$0x3F98]  }
0x1a: {  	s8 =	sadd.s32 $0xFFFFE003, lr  }
0x1b: {  	s9 =	sadd.s32 $0xFFFFFEF7, lr;
	s5 =	simm.s32 $0xFFFFFFFF;
	p2 =	slt.u32 s8, $0xFFFFF086  }
0x1c: {  	p1 =	slt.u32 s9, $0xF7A;
	s5 =	simm.s32 @!p2 $0x0  }
0x1d: {  	s5 =	simm.s32 @p1 $0x1;
	p0 =	seq.s32 s7, s2  }
0x1e: {  	s7 =	smul.u32 @!p0 $0xF7A, s2;
	p2 =	seq.s32 @!p0 s5, $0x0  }
0x1f: {  	s9 =	smul.u32 $0xF7A, s1;
	s8 =	simm.s32 @!p0 $0x1BF5;
	p2 =	por !p2, p0  }
0x20: {  	[sflag:s8] =	ssyncset.s32 @!p0 $0xFFFFF086;
	s6 =	sadd.s32 @!p0 s3, s7;
	s7 =	simm.s32 @!p0 $0x108  }
0x21: {  	s3 =	sadd.s32 s3, s9;
	s6 =	sadd.s32 @!p0 $0x88, s6;
	s7 =	simm.s32 @p2 $0x1082  }
0x22: {  	[simem:s7], [sflag:s8] =	dma.local @!p0 [hbm:s6], $0xF7A  }
0x23: {  	s9 =	sor.u32 $0xD0000000, s2;
	s6 =	simm.s32 $0x108;
	_ =	swait.ge @!p0 [sflag:s8], $0x0  }
0x24: {  	s3 =	sadd.s32 $0x88, s3;
	s6 =	simm.s32 @!p1 $0x1082;
	[sflag:s4] =	ssyncset.s32 $0xFFFFF086  }
0x25: {  	[simem:s6], [sflag:s4] =	dma.local [hbm:s3], $0xF7A  }
0x26: {  	[smem:$0x3F98] =	sst s1;
	(tag) =	ssettag s2;
	_ =	strace s9  }
0x27: {  	s1 =	sld [smem:$0x3FA8]  }
0x28: {  	s2 =	sld [smem:$0x3FA9]  }
0x29: {  	s4 =	sld [smem:$0x3FAB]  }
0x2a: {  	p0 =	seq.s32 s5, $0x0;
	s5 =	sld [smem:$0x3FAC]  }
0x2b: {  	s6 =	sld [smem:$0x3FAD]  }
0x2c: {  	s7 =	sld [smem:$0x3FAE]  }
0x2d: {  	s3 =	simm.s32 $0x108;
	s8 =	sld [smem:$0x3FAF]  }
0x2e: {  	s3 =	simm.s32 @!p0 $0x1082;
	s9 =	sld [smem:$0x3FB0]  }
0x2f: {  	lr =	sadd.s32 s0, s3;
	s0 =	sld [smem:$0x3FA7]  }
0x30: {  	s3 =	sld [smem:$0x3FAA]  }
0x31: {  	[smem:$0x3FB3] =	sst s10  }
0x32: {  	s10 =	sld [smem:$0x3FB1];
	_ =	sdelay $0x3  }
0x33: {  	p0 =	seq.s32 s10, $0x1;
	s10 =	sld [smem:$0x3FB3];
	_ =	sdelay $0x3  }
0x34: {  	[smem:$0x3FB3] =	sst s10  }
0x35: {  	s10 =	sld [smem:$0x3FB2];
	_ =	sdelay $0x3  }
0x36: {  	p1 =	seq.s32 s10, $0x1;
	s10 =	sld [smem:$0x3FB3];
	_ =	sdelay $0x3  }
0x37: {  	[smem:$0x3FB3] =	sst s10  }
0x38: {  	s10 =	sld [smem:$0x3FB4]  }
0x39: {  	_ = 	snop;
	(pc) =	sbr.ind lr, $3  }
0x3a: {  	_ = 	snop  }
0x3b: {  	_ = 	snop  }
0x3c: {  	p2 =	seq.s32 s10, $0x1;
	s10 =	sld [smem:$0x3FB3]  }
0x3d: {  	_ =	shalt  }
0x3e: {  	_ =	shalt  }
0x3f: {  	_ =	shalt  }
0x40: {  	_ =	shalt  }
0x41: {  	_ =	shalt  }
0x42: {  	_ =	shalt  }
0x43: {  	_ =	shalt  }
0x44: {  	_ =	shalt  }
0x45: {  	_ =	shalt  }
0x46: {  	_ =	shalt  }
0x47: {  	_ =	shalt  }
0x48: {  	_ =	shalt  }
0x49: {  	_ =	shalt  }
0x4a: {  	_ =	shalt  }
0x4b: {  	_ =	shalt  }
0x4c: {  	_ =	shalt  }
0x4d: {  	_ =	shalt  }
0x4e: {  	_ =	shalt  }
0x4f: {  	_ =	shalt  }
0x50: {  	_ =	shalt  }
0x51: {  	_ =	shalt  }
0x52: {  	_ =	shalt  }
0x53: {  	_ =	shalt  }
0x54: {  	_ =	shalt  }
0x55: {  	_ =	shalt  }
0x56: {  	_ =	shalt  }
0x57: {  	_ =	shalt  }
0x58: {  	_ =	shalt  }
0x59: {  	_ =	shalt  }
0x5a: {  	_ =	shalt  }
0x5b: {  	_ =	shalt  }
0x5c: {  	_ =	shalt  }
0x5d: {  	_ =	shalt  }
0x5e: {  	_ =	shalt  }
0x5f: {  	_ =	shalt  }
0x60: {  	_ =	shalt  }
0x61: {  	_ =	shalt  }
0x62: {  	_ =	shalt  }
0x63: {  	_ =	shalt  }
0x64: {  	_ =	shalt  }
0x65: {  	_ =	shalt  }
0x66: {  	_ =	shalt  }
0x67: {  	_ =	shalt  }
0x68: {  	_ =	shalt  }
0x69: {  	_ =	shalt  }
0x6a: {  	_ =	shalt  }
0x6b: {  	_ =	shalt  }
0x6c: {  	_ =	shalt  }
0x6d: {  	_ =	shalt  }
0x6e: {  	_ =	shalt  }
0x6f: {  	_ =	shalt  }
0x70: {  	_ =	shalt  }
0x71: {  	_ =	shalt  }
0x72: {  	_ =	shalt  }
0x73: {  	_ =	shalt  }
0x74: {  	_ =	shalt  }
0x75: {  	_ =	shalt  }
0x76: {  	_ =	shalt  }
0x77: {  	_ =	shalt  }
0x78: {  	_ =	shalt  }
0x79: {  	_ =	shalt  }
0x7a: {  	_ =	shalt  }
0x7b: {  	_ =	shalt  }
0x7c: {  	_ =	shalt  }
0x7d: {  	_ =	shalt  }
0x7e: {  	_ =	shalt  }
0x7f: {  	_ =	shalt  }
0x80: {  	_ =	shalt  }
0x81: {  	_ =	shalt  }
0x82: {  	_ =	shalt  }
0x83: {  	_ =	shalt  }
0x84: {  	_ =	shalt  }
0x85: {  	_ =	shalt  }
0x86: {  	_ =	shalt  }
0x87: {  	_ =	shalt  }
.Lfunc_end0:
.L_simem_size_0:
called_computation_lowered:
.L_overlay_start_0:
0x88: {  	s2 =	sld [smem:$0x3FD9]  }
0x89: {  	s3 =	sld [smem:$0x3FFE];
	_ =	sdelay $0x1  }
0x8a: {  	s1 =	srdreg.scid  }
0x8b: {  	s0 =	sand.u32 $0x1, s1  }
0x8c: {  	s17 =	sshll.u32 s0, $0xA;
	s2 =	sadd.s32 s3, s2  }
0x8d: {  	s2 =	sadd.s32 s2, s17  }
0x8e: {  	[smem:$0x3FBF] =	sst s2  }
0x8f: {  	_ = 	snop  }
0x90: {  	s2 =	sld [smem:$0x3FD0];
	(tm) =	ssettm $0x1  }
0x91: {  	s18 =	sld [smem:$0x3FFB];
	_ =	sdelay $0x3  }
0x92: {  	_ =	strace s18  }
0x93: {  	s3 =	sld [smem:$0x3FFC];
	_ =	sdelay $0x3  }
0x94: {  	_ =	strace s3  }
0x95: {  	s3 =	sld [smem:$0x3FFD];
	_ =	sdelay $0x3  }
0x96: {  	_ =	strace s3  }
0x97: {  	_ =	strace $0x8FFFFFFF  }
0x98: {  	s19 =	sld [smem:$0x3FDB];
	_ =	sdelay $0x1  }
0x99: {  	s4 =	simm.s32 $_scs_section_size  }
0x9a: {  	s5 =	simm.s32 $_size__tile_overlayer_lowered;
	s6 =	simm.s32 $_tile_overlayer_lowered  }
0x9b: {  	s22 =	simm.s32 $0x1BFF;
	s21 =	sshll.u32 s6, $0x1;
	s3 =	sadd.s32 s4, s19  }
0x9c: {  	s7 =	simm.s32 $0x0;
	s20 =	sshll.u32 s5, $0x1;
	s5 =	sadd.s32 s21, s3  }
0x9d: {  	[timem:s7], [sflag:s22] =	dma.local [hbm:s5], s20  }
0x9e: {  	_ =	swait.ge [sflag:s22], s20  }
0x9f: {  	s4 =	ssub.s32 $0x0, s20;
	[sflag:s22] =	ssyncset.done $0x0  }
0xa0: {  	[sflag:s22] =	ssyncadd.s32 s4;
	_ =	sdelay $0x1  }
0xa1: {  	s23 =	simm.s32 $0x1B8B  }
0xa2: {  	_ =	swait.ge [sflag:s23], $0x1  }
0xa3: {  	[sflag:s23] =	ssyncset.done $0x0  }
0xa4: {  	s25 =	simm.s32 $0x1B8E;
	s24 =	sld [smem:$0x3FFE];
	[sflag:s23] =	ssyncadd.s32 $0xFFFFFFFF  }
0xa5: {  	s26 =	simm.s32 $execute0_lowered;
	[smem:$0x3FD2] =	sst s25  }
0xa6: {  	s5 =	sshll.u32 s26, $0x1;
	_ =	strace $0x80000046;
	[dreg:$0x1] =	wrdreg $0xFFFFFFFF  }
0xa7: {  	s28 =	simm.s32 $_size_execute0_lowered;
	s3 =	sadd.s32 s3, s5;
	[dreg:$0x0] =	wrdreg $0x0  }
0xa8: {  	s5 =	sshll.u32 s28, $0x1;
	[dreg:$0x2] =	wrdreg s3  }
0xa9: {  	[dreg:$0x3] =	wrdreg s5  }
0xaa: {  	[dreg:$0x4] =	wrdreg $0xC0  }
0xab: {  	_ =	task [dreg:s7], $0x5FFFF  }
0xac: {  	[dreg:$0x1] =	wrdreg $0xFFFFFFFF  }
0xad: {  	[dreg:$0x0] =	wrdreg $0x60  }
0xae: {  	[dreg:$0x2] =	wrdreg s24  }
0xaf: {  	[dreg:$0x3] =	wrdreg s2  }
0xb0: {  	[dreg:$0x4] =	wrdreg $0xA8000  }
0xb1: {  	[dreg:$0x5] =	wrdreg $0x9  }
0xb2: {  	_ =	task.clear_ibuf [dreg:s7], $0x6FFFF;
	_ =	strace $0x90000046  }
0xb3: {  	s29 =	simm.s32 $0x9;
	_ =	strace $0x80000048  }
0xb4: {  	_ =	swait.ge [sflag:s29], $0x1  }
0xb5: {  	[sflag:s29] =	ssyncadd.s32 $0xFFFFFFFF  }
0xb6: {  	_ =	strace $0x90000048  }
0xb7: {  	_ =	sfence  }
0xb8: {  	s30 =	sld [smem:$0x0];
	_ =	sdelay $0x2  }
0xb9: {  	s31 =	sshll.u32 s1, $0xD;
	s1 =	sshrl.u32 s1, $0x2  }
0xba: {  	s3 =	sand.u32 $0x4000, s31;
	s1 =	sadd.s32 s1, s30  }
0xbb: {  	s0 =	sor.u32 s3, s0;
	s1 =	sshll.u32 s1, $0x11  }
0xbc: {  	s0 =	sor.u32 s1, s0  }
0xbd: {  	s0 =	sadd.s32 $0x8F2B, s0  }
0xbe: {  	[sflag:s0] =	ssyncadd.remote.s32 $0x1  }
0xbf: {  	_ =	sfence.sel $0xFFFF  }
0xc0: {  	[dreg:$0x0] =	wrdreg $0xFFFFFFFF;
	(pc) =	sbr.abs _section_cstart, $3  }
0xc1: {  	[dreg:$0x1] =	wrdreg $0xFFFFFFFF  }
0xc2: {  	_ =	task.clear_ibuf [dreg:s7], $0x2FFFF;
	_ =	strace $0x9FFFFFFF  }
0xc3: {  	(tm) =	ssettm $0x7FFFFFFF  }
tec
execute0_lowered:
.L_overlay_start_1:
0x0: {  	(tag) =	ssettag $0x1  }
0x1: {  	s0 =	rddreg [dreg:$0x0]  }
0x2: {  	s1 =	rddreg [dreg:$0x1]  }
0x3: {  	s2 =	rddreg [dreg:$0x2]  }
0x4: {  	s3 =	simm.s32 $0x0;
	s4 =	srdreg.scid;
	s12 =	stileid.u32  }
0x5: {  	s28 =	simm.s32 $0x80;
	s29 =	simm.s32 $0x6800;
	s30 =	simm.s32 $0x1  }
0x6: {  	s31 =	simm.s32 $0x2;
	[smem:$0x7FF] =	sst s3;
	s5 =	sand.u32 $0x1, s4  }
0x7: {  	s18 =	sshll.u32 s12, $0x1;
	s7 =	smul.u32 $0x50000, s12;
	s4 =	sadd.s32 $0xC800, s0  }
0x8: {  	s10 =	sadd.s32 $0x2800, s0;
	s0 =	sadd.s32 $0x145000, s0;
	s13 =	smul.u32 $0x280, s12  }
0x9: {  	s6 =	sor.u32 s5, s18;
	s8 =	ssub.s32 $0x2, s5;
	s14 =	smul.u32 $0x2800, s5  }
0xa: {  	_ =	strace $0x80000047;
	s9 =	smul.u32 $0x500, s6;
	s11 =	sshrl.u32 s8, $0x1  }
0xb: {  	s6 =	smul.u32 $0x2800, s6;
	s7 =	sshrl.u32 s7, $0x2;
	s22 =	sadd.s32 $0x80, s13  }
0xc: {  	s24 =	sadd.s32 $0x100, s13;
	s16 =	sadd.s32 $0x180, s13;
	s15 =	ssub.s32 s8, s11  }
0xd: {  	s5 =	sadd.s32 s7, s2;
	s21 =	sadd.s32 s13, s14;
	s23 =	sshll.u32 s22, $0x7  }
0xe: {  	s25 =	sshll.u32 s24, $0x7;
	s7 =	sadd.s32 s14, s24;
	s26 =	sshll.u32 s16, $0x7  }
0xf: {  	s13 =	sadd.s32 $0x200, s13;
	s16 =	sadd.s32 s14, s16;
	s6 =	sshrl.u32 s6, $0x3  }
0x10: {  	s19 =	sadd.s32 s1, s9;
	s20 =	sadd.s32 s10, s9;
	s7 =	sshll.u32 s7, $0x4  }
0x11: {  	s16 =	sshll.u32 s16, $0x4;
	s17 =	sshll.u32 s13, $0x7;
	s15 =	smax.u32 s15, $0x1  }
0x12: {  	s18 =	sadd.s32 $0xC000, s5;
	[dreg:$0x4] =	wrdreg s19;
	s6 =	sadd.s32 $0x280, s6  }
0x13: {  	[dreg:$0x5] =	wrdreg s20;
	s12 =	sadd.s32 s0, s7;
	s7 =	sadd.s32 s26, s2  }
0x14: {  	s19 =	sadd.s32 $0x10000, s5;
	s20 =	simm.s32 $0x2800;
	s26 =	simm.s32 $0x1400  }
0x15: {  	s1 =	sadd.s32 s1, s6;
	s9 =	sadd.s32 s10, s6;
	s6 =	sadd.s32 s14, s22  }
0x16: {  	s14 =	sadd.s32 s14, s13;
	s13 =	sadd.s32 s0, s16;
	s16 =	sadd.s32 $0x4000, s5  }
0x17: {  	s24 =	sshrl.u32 s7, $0x3;
	[dreg:$0x6] =	wrdreg s1;
	s1 =	sshll.u32 s21, $0x4  }
0x18: {  	s6 =	sshll.u32 s6, $0x4;
	s14 =	sshll.u32 s14, $0x4;
	s21 =	simm.s32 $0x3  }
0x19: {  	s10 =	sadd.s32 s0, s1;
	s1 =	sadd.s32 s23, s2;
	s11 =	sadd.s32 s0, s6  }
0x1a: {  	s6 =	sadd.s32 s25, s2;
	s25 =	sadd.s32 s17, s2;
	s14 =	sadd.s32 s0, s14  }
0x1b: {  	s17 =	sadd.s32 $0x8000, s5;
	s0 =	simm.s32 $0x2700;
	s22 =	sshrl.u32 s1, $0x3  }
0x1c: {  	v0 =	vimm.f32 $0.0e+00;
	s23 =	sshrl.u32 s6, $0x3;
	s25 =	sshrl.u32 s25, $0x3;
	s1 =	simm.s32 $0x2780  }
.LBB2_1:
0x1d: {  	s6 =	simm.s32 $0x0;
	s7 =	simm.s32 $0x200  }
.LBB2_2:
0x1e: {  	p0 =	sne.s32 s7, $0xFE00;
	[tilespmem:s6+$0x2870] =	vst v0  }
0x1f: {  	[tilespmem:s6+$0x2800] =	vst v0  }
0x20: {  	[tilespmem:s6+$0x2810] =	vst v0  }
.Ltmp0:
0x21: {  	[tilespmem:s6+$0x2820] =	vst v0;
	(pc) =	sbr.rel @p0 .LBB2_2-.Ltmp0, $4  }
0x22: {  	[tilespmem:s6+$0x2830] =	vst v0  }
0x23: {  	[tilespmem:s6+$0x2840] =	vst v0  }
0x24: {  	[tilespmem:s6+$0x2850] =	vst v0  }
0x25: {  	[tilespmem:s6+$0x2860] =	vst v0;
	s6 =	sshra.s32 s7, $0x2;
	s7 =	sadd.s32 $0x200, s7  }
0x26: {  	[tilespmem:s6+$0x2870] =	vst v0  }
0x27: {  	[tilespmem:s6+$0x2800] =	vst v0  }
0x28: {  	[tilespmem:s6+$0x2810] =	vst v0  }
0x29: {  	[tilespmem:s6+$0x2820] =	vst v0  }
0x2a: {  	[tilespmem:s6+$0x2830] =	vst v0  }
0x2b: {  	[tilespmem:s6+$0x2840] =	vst v0  }
0x2c: {  	[tilespmem:s6+$0x2850] =	vst v0  }
0x2d: {  	[tilespmem:s6+$0x2860] =	vst v0  }
0x2e: {  	[spmem:s5] =	stream.linear.scatter [tilespmem:s20], [sflag:$0x3], $0x4000, $0x38;
	[tilespmem:$0x1E800] =	vst v63  }
0x2f: {  	_ =	swait.ge [sflag:s21], $0x4000  }
0x30: {  	[sflag:s21] =	ssyncset.done $0x0  }
0x31: {  	[sflag:s21] =	ssyncadd.s32 $0xFFFFC000  }
0x32: {  	[spmem:s16] =	stream.linear.scatter [tilespmem:s20], [sflag:$0x3], $0x4000, $0x38;
	[tilespmem:$0x1E800] =	vst v63  }
0x33: {  	_ =	swait.ge [sflag:s21], $0x4000  }
0x34: {  	[sflag:s21] =	ssyncset.done $0x0  }
0x35: {  	[sflag:s21] =	ssyncadd.s32 $0xFFFFC000  }
0x36: {  	[spmem:s17] =	stream.linear.scatter [tilespmem:s20], [sflag:$0x3], $0x4000, $0x38;
	[tilespmem:$0x1E800] =	vst v63  }
0x37: {  	_ =	swait.ge [sflag:s21], $0x4000  }
0x38: {  	[sflag:s21] =	ssyncset.done $0x0  }
0x39: {  	[sflag:s21] =	ssyncadd.s32 $0xFFFFC000  }
0x3a: {  	[spmem:s18] =	stream.linear.scatter [tilespmem:s20], [sflag:$0x3], $0x4000, $0x38;
	[tilespmem:$0x1E800] =	vst v63  }
0x3b: {  	_ =	swait.ge [sflag:s21], $0x4000  }
0x3c: {  	[sflag:s21] =	ssyncset.done $0x0  }
0x3d: {  	[sflag:s21] =	ssyncadd.s32 $0xFFFFC000  }
0x3e: {  	[spmem:s19] =	stream.linear.scatter [tilespmem:s20], [sflag:$0x3], $0x4000, $0x38;
	[tilespmem:$0x1E800] =	vst v63  }
0x3f: {  	_ =	swait.ge [sflag:s21], $0x4000  }
0x40: {  	[sflag:s21] =	ssyncset.done $0x0  }
0x41: {  	[sflag:s21] =	ssyncadd.s32 $0xFFFFC000  }
0x42: {  	[bflag:$0x0] =	sbarrier.arrive $0xFFFF  }
0x43: {  	s6 =	simm.s32 $0x0;
	s7 =	rddreg [dreg:$0x4]  }
0x44: {  	[tilespmem:s6], [sflag:$0x3] =	stream.linear.gather [hbm4b:s7+s6], $0x1400, $0x38;
	[tilespmem:$0x1E800] =	vst v63  }
0x45: {  	_ =	swait.ge [sflag:s21], $0x1400  }
0x46: {  	[sflag:s21] =	ssyncset.done $0x0  }
0x47: {  	s8 =	rddreg [dreg:$0x5];
	[sflag:s21] =	ssyncadd.s32 $0xFFFFEC00  }
0x48: {  	[tilespmem:s26], [sflag:$0x3] =	stream.linear.gather [hbm4b:s8+s6], $0x1400, $0x38;
	[tilespmem:$0x1E800] =	vst v63  }
0x49: {  	_ =	swait.ge [sflag:s21], $0x1400  }
0x4a: {  	[sflag:s21] =	ssyncset.done $0x0  }
0x4b: {  	[sflag:s21] =	ssyncadd.s32 $0xFFFFEC00  }
0x4c: {  	[tilespmem:s20], [sflag:$0x1] =	stream.indirect.gather [hbm4b:s4+s28], $0x80, s6, s28, $0xb8;
	[tilespmem:$0x1E800] =	vst v63  }
0x4d: {  	_ = 	snop  }
0x4e: {  	[tilespmem:s29], [sflag:$0x2] =	stream.indirect.gather [hbm4b:s4+s28], $0x80, s28, s28, $0xb8;
	[tilespmem:$0x1E800] =	vst v63  }
0x4f: {  	_ =	swait.ge [sflag:s30], $0x4000  }
0x50: {  	[sflag:s30] =	ssyncset.done $0x0  }
0x51: {  	s8 =	simm.s32 $0x1400;
	[sflag:s30] =	ssyncadd.s32 $0xFFFFC000  }
0x52: {  	[spmem:s2] =	stream.indirect.scatter.add.f32 [tilespmem:s20], [sflag:$0x3], $0x80, s8, s28, $0xb8;
	[tilespmem:$0x1E800] =	vst v63  }
0x53: {  	_ =	swait.ge [sflag:s21], $0x4000  }
0x54: {  	[sflag:s21] =	ssyncset.done $0x0  }
0x55: {  	s7 =	simm.s32 $0x100;
	[sflag:s21] =	ssyncadd.s32 $0xFFFFC000  }
0x56: {  	[tilespmem:s20], [sflag:$0x1] =	stream.indirect.gather [hbm4b:s4+s28], $0x80, s7, s28, $0xb8;
	[tilespmem:$0x1E800] =	vst v63  }
0x57: {  	_ =	swait.ge [sflag:s31], $0x4000  }
0x58: {  	[sflag:s31] =	ssyncset.done $0x0  }
0x59: {  	s8 =	simm.s32 $0x1480;
	[sflag:s31] =	ssyncadd.s32 $0xFFFFC000  }
0x5a: {  	[spmem:s2] =	stream.indirect.scatter.add.f32 [tilespmem:s29], [sflag:$0x3], $0x80, s8, s28, $0xb8;
	[tilespmem:$0x1E800] =	vst v63  }
0x5b: {  	_ =	swait.ge [sflag:s21], $0x4000  }
0x5c: {  	[sflag:s21] =	ssyncset.done $0x0  }
0x5d: {  	s6 =	simm.s32 $0x400;
	s7 =	simm.s32 $0x180;
	[sflag:s21] =	ssyncadd.s32 $0xFFFFC000  }
.LBB2_4:
0x5e: {  	[tilespmem:s29], [sflag:$0x2] =	stream.indirect.gather [hbm4b:s4+s28], $0x80, s7, s28, $0xb8;
	[tilespmem:$0x1E800] =	vst v63  }
0x5f: {  	s7 =	smov.u32 s6  }
0x60: {  	p0 =	sne.s32 s6, $0x4800;
	s6 =	sadd.s32 $0x400, s6;
	_ =	swait.ge [sflag:s30], $0x4000  }
0x61: {  	s7 =	sshra.s32 s7, $0x2;
	[sflag:s30] =	ssyncset.done $0x0  }
0x62: {  	s8 =	sadd.s32 $0x1400, s7;
	[sflag:s30] =	ssyncadd.s32 $0xFFFFC000  }
0x63: {  	[spmem:s2] =	stream.indirect.scatter.add.f32 [tilespmem:s20], [sflag:$0x3], $0x80, s8, s28, $0xb8;
	[tilespmem:$0x1E800] =	vst v63  }
0x64: {  	_ =	swait.ge [sflag:s21], $0x4000  }
0x65: {  	[sflag:s21] =	ssyncset.done $0x0  }
0x66: {  	s8 =	sadd.s32 $0x100, s7;
	[sflag:s21] =	ssyncadd.s32 $0xFFFFC000  }
0x67: {  	[tilespmem:s20], [sflag:$0x1] =	stream.indirect.gather [hbm4b:s4+s28], $0x80, s8, s28, $0xb8;
	[tilespmem:$0x1E800] =	vst v63  }
0x68: {  	_ =	swait.ge [sflag:s31], $0x4000  }
0x69: {  	[sflag:s31] =	ssyncset.done $0x0  }
.Ltmp1:
0x6a: {  	s8 =	sadd.s32 $0x1480, s7;
	[sflag:s31] =	ssyncadd.s32 $0xFFFFC000;
	(pc) =	sbr.rel @p0 .LBB2_4-.Ltmp1, $4  }
0x6b: {  	[spmem:s2] =	stream.indirect.scatter.add.f32 [tilespmem:s29], [sflag:$0x3], $0x80, s8, s28, $0xb8;
	[tilespmem:$0x1E800] =	vst v63  }
0x6c: {  	_ =	swait.ge [sflag:s21], $0x4000  }
0x6d: {  	[sflag:s21] =	ssyncset.done $0x0  }
0x6e: {  	s7 =	sadd.s32 $0x180, s7;
	[sflag:s21] =	ssyncadd.s32 $0xFFFFC000  }
0x6f: {  	[tilespmem:s29], [sflag:$0x2] =	stream.indirect.gather [hbm4b:s4+s28], $0x80, s7, s28, $0xb8;
	[tilespmem:$0x1E800] =	vst v63  }
0x70: {  	_ =	swait.ge [sflag:s30], $0x4000  }
0x71: {  	[sflag:s30] =	ssyncset.done $0x0  }
0x72: {  	[sflag:s30] =	ssyncadd.s32 $0xFFFFC000  }
0x73: {  	[spmem:s2] =	stream.indirect.scatter.add.f32 [tilespmem:s20], [sflag:$0x3], $0x80, s0, s28, $0xb8;
	[tilespmem:$0x1E800] =	vst v63  }
0x74: {  	_ =	swait.ge [sflag:s21], $0x4000  }
0x75: {  	[sflag:s21] =	ssyncset.done $0x0  }
0x76: {  	[sflag:s21] =	ssyncadd.s32 $0xFFFFC000  }
0x77: {  	_ =	swait.ge [sflag:s31], $0x4000  }
0x78: {  	[sflag:s31] =	ssyncset.done $0x0  }
0x79: {  	[sflag:s31] =	ssyncadd.s32 $0xFFFFC000  }
0x7a: {  	[spmem:s2] =	stream.indirect.scatter.add.f32 [tilespmem:s29], [sflag:$0x3], $0x80, s1, s28, $0xb8;
	[tilespmem:$0x1E800] =	vst v63  }
0x7b: {  	_ =	swait.ge [sflag:s21], $0x4000  }
0x7c: {  	[sflag:s21] =	ssyncset.done $0x0  }
0x7d: {  	s6 =	simm.s32 $0x0;
	s8 =	rddreg [dreg:$0x6];
	[sflag:s21] =	ssyncadd.s32 $0xFFFFC000  }
0x7e: {  	[tilespmem:s6], [sflag:$0x3] =	stream.linear.gather [hbm4b:s8+s6], $0x1400, $0x38;
	[tilespmem:$0x1E800] =	vst v63  }
0x7f: {  	_ =	swait.ge [sflag:s21], $0x1400  }
0x80: {  	[sflag:s21] =	ssyncset.done $0x0  }
0x81: {  	[sflag:s21] =	ssyncadd.s32 $0xFFFFEC00  }
0x82: {  	[tilespmem:s26], [sflag:$0x3] =	stream.linear.gather [hbm4b:s9+s6], $0x1400, $0x38;
	[tilespmem:$0x1E800] =	vst v63  }
0x83: {  	_ =	swait.ge [sflag:s21], $0x1400  }
0x84: {  	[sflag:s21] =	ssyncset.done $0x0  }
0x85: {  	[sflag:s21] =	ssyncadd.s32 $0xFFFFEC00  }
0x86: {  	[tilespmem:s20], [sflag:$0x1] =	stream.indirect.gather [hbm4b:s4+s28], $0x80, s6, s28, $0xb8;
	[tilespmem:$0x1E800] =	vst v63  }
0x87: {  	_ = 	snop  }
0x88: {  	[tilespmem:s29], [sflag:$0x2] =	stream.indirect.gather [hbm4b:s4+s28], $0x80, s28, s28, $0xb8;
	[tilespmem:$0x1E800] =	vst v63  }
0x89: {  	_ =	swait.ge [sflag:s30], $0x4000  }
0x8a: {  	[sflag:s30] =	ssyncset.done $0x0  }
0x8b: {  	s8 =	simm.s32 $0x1400;
	[sflag:s30] =	ssyncadd.s32 $0xFFFFC000  }
0x8c: {  	[spmem:s2] =	stream.indirect.scatter.add.f32 [tilespmem:s20], [sflag:$0x3], $0x80, s8, s28, $0xb8;
	[tilespmem:$0x1E800] =	vst v63  }
0x8d: {  	_ =	swait.ge [sflag:s21], $0x4000  }
0x8e: {  	[sflag:s21] =	ssyncset.done $0x0  }
0x8f: {  	s7 =	simm.s32 $0x100;
	[sflag:s21] =	ssyncadd.s32 $0xFFFFC000  }
0x90: {  	[tilespmem:s20], [sflag:$0x1] =	stream.indirect.gather [hbm4b:s4+s28], $0x80, s7, s28, $0xb8;
	[tilespmem:$0x1E800] =	vst v63  }
0x91: {  	_ =	swait.ge [sflag:s31], $0x4000  }
0x92: {  	[sflag:s31] =	ssyncset.done $0x0  }
0x93: {  	s8 =	simm.s32 $0x1480;
	[sflag:s31] =	ssyncadd.s32 $0xFFFFC000  }
0x94: {  	[spmem:s2] =	stream.indirect.scatter.add.f32 [tilespmem:s29], [sflag:$0x3], $0x80, s8, s28, $0xb8;
	[tilespmem:$0x1E800] =	vst v63  }
0x95: {  	_ =	swait.ge [sflag:s21], $0x4000  }
0x96: {  	[sflag:s21] =	ssyncset.done $0x0  }
0x97: {  	s6 =	simm.s32 $0x400;
	s7 =	simm.s32 $0x180;
	[sflag:s21] =	ssyncadd.s32 $0xFFFFC000  }
.LBB2_6:
0x98: {  	[tilespmem:s29], [sflag:$0x2] =	stream.indirect.gather [hbm4b:s4+s28], $0x80, s7, s28, $0xb8;
	[tilespmem:$0x1E800] =	vst v63  }
0x99: {  	s7 =	smov.u32 s6  }
0x9a: {  	p0 =	sne.s32 s6, $0x4800;
	s6 =	sadd.s32 $0x400, s6;
	_ =	swait.ge [sflag:s30], $0x4000  }
0x9b: {  	s7 =	sshra.s32 s7, $0x2;
	[sflag:s30] =	ssyncset.done $0x0  }
0x9c: {  	s8 =	sadd.s32 $0x1400, s7;
	[sflag:s30] =	ssyncadd.s32 $0xFFFFC000  }
0x9d: {  	[spmem:s2] =	stream.indirect.scatter.add.f32 [tilespmem:s20], [sflag:$0x3], $0x80, s8, s28, $0xb8;
	[tilespmem:$0x1E800] =	vst v63  }
0x9e: {  	_ =	swait.ge [sflag:s21], $0x4000  }
0x9f: {  	[sflag:s21] =	ssyncset.done $0x0  }
0xa0: {  	s8 =	sadd.s32 $0x100, s7;
	[sflag:s21] =	ssyncadd.s32 $0xFFFFC000  }
0xa1: {  	[tilespmem:s20], [sflag:$0x1] =	stream.indirect.gather [hbm4b:s4+s28], $0x80, s8, s28, $0xb8;
	[tilespmem:$0x1E800] =	vst v63  }
0xa2: {  	_ =	swait.ge [sflag:s31], $0x4000  }
0xa3: {  	[sflag:s31] =	ssyncset.done $0x0  }
.Ltmp2:
0xa4: {  	s8 =	sadd.s32 $0x1480, s7;
	[sflag:s31] =	ssyncadd.s32 $0xFFFFC000;
	(pc) =	sbr.rel @p0 .LBB2_6-.Ltmp2, $4  }
0xa5: {  	[spmem:s2] =	stream.indirect.scatter.add.f32 [tilespmem:s29], [sflag:$0x3], $0x80, s8, s28, $0xb8;
	[tilespmem:$0x1E800] =	vst v63  }
0xa6: {  	_ =	swait.ge [sflag:s21], $0x4000  }
0xa7: {  	[sflag:s21] =	ssyncset.done $0x0  }
0xa8: {  	s7 =	sadd.s32 $0x180, s7;
	[sflag:s21] =	ssyncadd.s32 $0xFFFFC000  }
0xa9: {  	[tilespmem:s29], [sflag:$0x2] =	stream.indirect.gather [hbm4b:s4+s28], $0x80, s7, s28, $0xb8;
	[tilespmem:$0x1E800] =	vst v63  }
0xaa: {  	_ =	swait.ge [sflag:s30], $0x4000  }
0xab: {  	[sflag:s30] =	ssyncset.done $0x0  }
0xac: {  	[sflag:s30] =	ssyncadd.s32 $0xFFFFC000  }
0xad: {  	[spmem:s2] =	stream.indirect.scatter.add.f32 [tilespmem:s20], [sflag:$0x3], $0x80, s0, s28, $0xb8;
	[tilespmem:$0x1E800] =	vst v63  }
0xae: {  	_ =	swait.ge [sflag:s21], $0x4000  }
0xaf: {  	[sflag:s21] =	ssyncset.done $0x0  }
0xb0: {  	[sflag:s21] =	ssyncadd.s32 $0xFFFFC000  }
0xb1: {  	_ =	swait.ge [sflag:s31], $0x4000  }
0xb2: {  	[sflag:s31] =	ssyncset.done $0x0  }
0xb3: {  	[sflag:s31] =	ssyncadd.s32 $0xFFFFC000  }
0xb4: {  	[spmem:s2] =	stream.indirect.scatter.add.f32 [tilespmem:s29], [sflag:$0x3], $0x80, s1, s28, $0xb8;
	[tilespmem:$0x1E800] =	vst v63  }
0xb5: {  	_ =	swait.ge [sflag:s21], $0x4000  }
0xb6: {  	s6 =	stileid.u32;
	[sflag:s21] =	ssyncset.done $0x0  }
0xb7: {  	s6 =	sshll.u32 s6, $0x6;
	[sflag:s21] =	ssyncadd.s32 $0xFFFFC000  }
0xb8: {  	s8 =	sshrl.u32 s5, $0x3;
	s6 =	sor.u32 $0x1C01, s6;
	[bflag:$0x0] =	sbarrier.arrive $0xFFFF  }
0xb9: {  	[hbm:s10], [sflag:s6] =	dma.local [spmem:s8], $0x800  }
0xba: {  	[hbm:s11], [sflag:s6] =	dma.local [spmem:s22], $0x800  }
0xbb: {  	[hbm:s12], [sflag:s6] =	dma.local [spmem:s23], $0x800  }
0xbc: {  	[hbm:s13], [sflag:s6] =	dma.local [spmem:s24], $0x800  }
0xbd: {  	[hbm:s14], [sflag:s6] =	dma.local [spmem:s25], $0x800  }
0xbe: {  	_ =	swait.ge [sflag:s30], $0x800  }
0xbf: {  	[sflag:s30] =	ssyncset.done $0x0  }
0xc0: {  	[sflag:s30] =	ssyncadd.s32 $0xFFFFF800  }
0xc1: {  	_ =	swait.ge [sflag:s30], $0x800  }
0xc2: {  	[sflag:s30] =	ssyncset.done $0x0  }
0xc3: {  	[sflag:s30] =	ssyncadd.s32 $0xFFFFF800  }
0xc4: {  	_ =	swait.ge [sflag:s30], $0x800  }
0xc5: {  	[sflag:s30] =	ssyncset.done $0x0  }
0xc6: {  	s3 =	sadd.s32 $0x1, s3;
	[sflag:s30] =	ssyncadd.s32 $0xFFFFF800  }
0xc7: {  	p0 =	sne.s32 s3, s15;
	_ =	swait.ge [sflag:s30], $0x800  }
.Ltmp3:
0xc8: {  	[sflag:s30] =	ssyncset.done $0x0;
	(pc) =	sbr.rel @p0 .LBB2_1-.Ltmp3, $4  }
0xc9: {  	[sflag:s30] =	ssyncadd.s32 $0xFFFFF800  }
0xca: {  	_ =	swait.ge [sflag:s30], $0x800  }
0xcb: {  	[sflag:s30] =	ssyncset.done $0x0  }
0xcc: {  	[sflag:s30] =	ssyncadd.s32 $0xFFFFF800  }
0xcd: {  	_ =	sfence.sel $0x180000  }
0xce: {  	[bflag:$0x0] =	sbarrier.arrive $0xFFFF  }
0xcf: {  	_ =	strace $0x90000047  }
0xd0: {  	s0 =	stileid.u32;
	[bflag:$0x2] =	sbarrier.arrive $0xFFFF  }
0xd1: {  	p0 =	sne.s32 s0, $0x0;
	s0 =	rddreg [dreg:$0x3]  }
0xd2: {  	s0 =	sadd.s32 @!p0 $0x100000, s0  }
0xd3: {  	[sflag:s0] =	ssyncadd.tile.s32 @!p0 $0x1;
	_ =	shalt  }
.Lfunc_end2:
_tile_overlayer_lowered:
.L_overlay_start_2:
0xd4: {  	(tag) =	ssettag $0x2  }
0xd5: {  	s0 =	rddreg [dreg:$0x0];
	s2 =	stileid.u32  }
0xd6: {  	s1 =	rddreg [dreg:$0x1];
	p0 =	sne.s32 s2, $0x0  }
0xd7: {  	s3 =	rddreg [dreg:$0x2];
	[bflag:$0x3] =	sbarrier.arrive $0xFFFF;
	s2 =	simm.s32 @!p0 $0x1C03  }
0xd8: {  	[timem:s3], [sflag:s2] =	dma.local @!p0 [hbm:s0], s1  }
0xd9: {  	s0 =	simm.s32 @!p0 $0x3  }
0xda: {  	_ =	swait.ge @!p0 [sflag:s0], s1  }
0xdb: {  	s1 =	ssub.s32 @!p0 $0x0, s1;
	[sflag:s0] =	ssyncset.done @!p0 $0x0  }
0xdc: {  	[sflag:s0] =	ssyncadd.s32 @!p0 s1  }
0xdd: {  	[bflag:$0x3] =	sbarrier.arrive $0xFFFF  }
0xde: {  	_ =	shalt  }

</sc_bundles>
